<compile_context>
chip_gen: v7x
topology: tpu7x:2x2x1
jax: 0.10.2.dev20260603
libtpu: 0.0.44.dev20260713+nightly
codegen_flags: <defaults>
</compile_context>

<pallas_src>
import functools

import jax
import jax.numpy as jnp
from jax import lax
from jax.experimental import pallas as pl
from jax.experimental.pallas import tpu as pltpu
from jax.experimental.pallas import tpu_sc as plsc

_NC, _NS = 2, 16
_NW = _NC * _NS
_CH = 128


def _sc_gather(emb, idx):
    total, emb_d = idx.shape[0], emb.shape[1]
    n_chunks = total // _CH
    mesh = plsc.VectorSubcoreMesh(core_axis_name="c", subcore_axis_name="s")

    @functools.partial(
        pl.kernel,
        out_type=jax.ShapeDtypeStruct((total, emb_d), jnp.float32),
        mesh=mesh,
        scratch_types=[
            pltpu.VMEM((_CH,), jnp.int32),
            pltpu.VMEM((_CH, emb_d), jnp.float32),
            pltpu.SemaphoreType.DMA,
        ],
    )
    def gather_kernel(emb_hbm, idx_hbm, x_hbm, idx_v, rows_v, sem):
        wid = lax.axis_index("s") * _NC + lax.axis_index("c")
        n_mine = (n_chunks - wid + _NW - 1) // _NW

        def body(j, carry):
            base = (wid + j * _NW) * _CH
            pltpu.sync_copy(idx_hbm.at[pl.ds(base, _CH)], idx_v)
            pltpu.async_copy(emb_hbm.at[idx_v], rows_v, sem).wait()
            pltpu.sync_copy(rows_v, x_hbm.at[pl.ds(base, _CH)])
            return carry

        lax.fori_loop(0, n_mine, body, 0)

    return gather_kernel(emb, idx)


_BB = 1024


_MCH = 256


def _bilstm_body(x_ref, wuf_ref, bf_ref, wub_ref, bb_ref,
                 wd_ref, bd_ref, out_ref, hf, cf, hb, cb):
    seq_len = x_ref.shape[0]
    batch = x_ref.shape[1]
    units = hf.shape[1]
    hf[...] = jnp.zeros((batch, units), jnp.bfloat16)
    hb[...] = jnp.zeros((batch, units), jnp.bfloat16)
    cf[...] = jnp.zeros((batch, units), jnp.float32)
    cb[...] = jnp.zeros((batch, units), jnp.float32)

    def sig(v):
        return 0.5 * jnp.tanh(0.5 * v) + 0.5

    def recur(t, h_ref, c_ref, wu_ref):
        a = jnp.concatenate([x_ref[t].astype(jnp.bfloat16), h_ref[...]],
                            axis=1)
        for m in range(batch // _MCH):
            z = jnp.dot(a[m * _MCH:(m + 1) * _MCH], wu_ref[...],
                        preferred_element_type=jnp.float32)
            i = sig(z[:, :units])
            f = sig(z[:, units:2 * units])
            g = jnp.tanh(z[:, 2 * units:3 * units])
            o = sig(z[:, 3 * units:])
            rows = pl.ds(m * _MCH, _MCH)
            c = f * c_ref[rows] + i * g
            c_ref[rows] = c
            h_ref[rows] = (o * jnp.tanh(c)).astype(jnp.bfloat16)

    def step(t, carry):
        recur(t, hf, cf, wuf_ref)
        recur(seq_len - 1 - t, hb, cb, wub_ref)
        return carry

    lax.fori_loop(0, seq_len, step, 0)

    h = jnp.concatenate([hf[...], hb[...]], axis=1)
    logits = jnp.dot(h, wd_ref[...], preferred_element_type=jnp.float32)
    m = jnp.max(logits, axis=1, keepdims=True)
    e = jnp.exp(logits - m)
    out_ref[...] = e / jnp.sum(e, axis=1, keepdims=True)


def _tc_bilstm(x, wuf, bf2, wub, bb2, wd, bd2):
    seq_len, batch, emb_d = x.shape
    units = wuf.shape[1] // 4
    ncls = wd.shape[1]
    grid = (batch // _BB,)
    wuspec = pl.BlockSpec((emb_d + units, 4 * units), lambda i: (0, 0))
    bspec = pl.BlockSpec((1, 4 * units), lambda i: (0, 0))
    return pl.pallas_call(
        _bilstm_body,
        grid=grid,
        in_specs=[
            pl.BlockSpec((seq_len, _BB, emb_d), lambda i: (0, i, 0)),
            wuspec, bspec, wuspec, bspec,
            pl.BlockSpec((2 * units, ncls), lambda i: (0, 0)),
            pl.BlockSpec((1, ncls), lambda i: (0, 0)),
        ],
        out_specs=pl.BlockSpec((_BB, ncls), lambda i: (i, 0)),
        out_shape=jax.ShapeDtypeStruct((batch, ncls), jnp.float32),
        scratch_shapes=[
            pltpu.VMEM((_BB, units), jnp.bfloat16),
            pltpu.VMEM((_BB, units), jnp.float32),
            pltpu.VMEM((_BB, units), jnp.bfloat16),
            pltpu.VMEM((_BB, units), jnp.float32),
        ],
    )(x, wuf, bf2, wub, bb2, wd, bd2)


def kernel(inputs, emb, Wf, Uf, bf, Wb, Ub, bb, Wd, bd):
    batch, seq_len = inputs.shape
    emb_d = emb.shape[1]
    idx = inputs.T.reshape(-1).astype(jnp.int32)
    x = _sc_gather(emb, idx).reshape(seq_len, batch, emb_d)
    wuf = jnp.concatenate([Wf, Uf], axis=0).astype(jnp.bfloat16)
    wub = jnp.concatenate([Wb, Ub], axis=0).astype(jnp.bfloat16)
    return _tc_bilstm(x, wuf, bf.reshape(1, -1), wub, bb.reshape(1, -1),
                      Wd.astype(jnp.bfloat16), bd.reshape(1, -1))

# --- scband reference (transcript-rebuilt; emitter-appended) ---
"""Pipeline reference for scband-base-line-82429012345641 (READ-ONLY COPY).

The authoritative reference and input builder live on the scoring server;
editing this copy changes nothing except your own understanding.
"""

import jax, jax.numpy as jnp
import numpy as np

VOCAB = 100000
EMB = 128
UNITS = 128
B = 1024
L = 50
NCLS = 14


def lstm_last(x, W, U, b):
    # x: [B, L, D]; Keras LSTM gate order i, f, g(c), o; returns last hidden state.
    Bsz = x.shape[0]
    units = U.shape[0]
    h0 = jnp.zeros((Bsz, units), dtype=x.dtype)
    c0 = jnp.zeros((Bsz, units), dtype=x.dtype)

    def step(carry, xt):
        h, c = carry
        z = xt @ W + h @ U + b
        i, f, g, o = jnp.split(z, 4, axis=-1)
        i = jax.nn.sigmoid(i)
        f = jax.nn.sigmoid(f)
        g = jnp.tanh(g)
        o = jax.nn.sigmoid(o)
        c = f * c + i * g
        h = o * jnp.tanh(c)
        return (h, c), None

    (h, c), _ = jax.lax.scan(step, (h0, c0), jnp.swapaxes(x, 0, 1))
    return h


def setup_inputs(seed: int = 0) -> dict:
    key = jax.random.key(seed)
    ks = jax.random.split(key, 11)
    inputs = jax.random.randint(ks[0], (B, L), 0, VOCAB, dtype=jnp.int64 if jax.config.jax_enable_x64 else jnp.int32)
    emb = jax.random.normal(ks[1], (VOCAB, EMB), dtype=jnp.float32) * 0.02
    Wf = jax.random.normal(ks[2], (EMB, 4 * UNITS), dtype=jnp.float32) * 0.05
    Uf = jax.random.normal(ks[3], (UNITS, 4 * UNITS), dtype=jnp.float32) * 0.05
    bf = jnp.zeros((4 * UNITS,), dtype=jnp.float32)
    Wb = jax.random.normal(ks[4], (EMB, 4 * UNITS), dtype=jnp.float32) * 0.05
    Ub = jax.random.normal(ks[5], (UNITS, 4 * UNITS), dtype=jnp.float32) * 0.05
    bb = jnp.zeros((4 * UNITS,), dtype=jnp.float32)
    Wd = jax.random.normal(ks[6], (2 * UNITS, NCLS), dtype=jnp.float32) * 0.05
    bd = jnp.zeros((NCLS,), dtype=jnp.float32)
    return {"inputs": inputs, "emb": emb, "Wf": Wf, "Uf": Uf, "bf": bf, "Wb": Wb, "Ub": Ub, "bb": bb, "Wd": Wd, "bd": bd}


def reference(inputs, emb, Wf, Uf, bf, Wb, Ub, bb, Wd, bd):
    x = jnp.take(emb, inputs, axis=0)              # [B, L, EMB] embedding lookup
    hf = lstm_last(x, Wf, Uf, bf)                   # forward direction last state
    hb = lstm_last(x[:, ::-1, :], Wb, Ub, bb)       # backward direction last state
    h = jnp.concatenate([hf, hb], axis=-1)          # Bidirectional merge_mode='concat'
    logits = h @ Wd + bd
    return jax.nn.softmax(logits, axis=-1)

if __name__ == "__main__":
    import jax
    _d = setup_inputs()
    print(jax.jit(kernel)(*tuple(_d.values())))

</pallas_src>

<mosaic_0001>
#map = affine_map<(d0, d1) -> (0, 0)>
#map1 = affine_map<(d0, d1) -> (0)>
module attributes {stable_mosaic.version = 14 : i64} {
  func.func @gather_kernel(%arg0: i32, %arg1: i32, %arg2: memref<100000x128xf32, #tpu.memory_space<hbm>>, %arg3: memref<51200xi32, #tpu.memory_space<hbm>>, %arg4: memref<51200x128xf32, #tpu.memory_space<hbm>>, %arg5: memref<128xi32, #tpu.memory_space<vmem>>, %arg6: memref<128x128xf32, #tpu.memory_space<vmem>>, %arg7: memref<!tpu.dma_semaphore, #tpu.memory_space<semaphore_mem>>) attributes {dimension_semantics = [#tpu.dimension_semantics<core_parallel>, #tpu.dimension_semantics<subcore_parallel>], iteration_bounds = array<i64: 2, 16>, scalar_prefetch = 0 : i64, scratch_operands = 3 : i64, tpu.core_type = #tpu.core_type<sc_vector_subcore>, window_params = [{transform_indices = #map}, {transform_indices = #map1}, {transform_indices = #map}]} {
    %mul3A = arith.constant 2 : i32
    %mul3A_0 = arith.muli %arg1, %mul3A : i32
    %add3A = arith.addi %mul3A_0, %arg0 : i32
    %sub3A = arith.constant 400 : i32
    %sub3A_1 = arith.subi %sub3A, %add3A : i32
    %add3A_2 = arith.constant 32 : i32
    %add3A_3 = arith.addi %sub3A_1, %add3A_2 : i32
    %sub3A_4 = arith.constant 1 : i32
    %sub3A_5 = arith.subi %add3A_3, %sub3A_4 : i32
    %jit3A = arith.constant 32 : i32
    %div3A = arith.divsi %sub3A_5, %jit3A : i32
    %sign3A = arith.constant 0 : i32
    %sign3A_6 = arith.cmpi sgt, %sub3A_5, %sign3A : i32
    %sign3A_7 = arith.extui %sign3A_6 : i1 to i32
    %sign3A_8 = arith.constant 0 : i32
    %sign3A_9 = arith.cmpi slt, %sub3A_5, %sign3A_8 : i32
    %sign3A_10 = arith.extui %sign3A_9 : i1 to i32
    %sign3A_11 = arith.subi %sign3A_7, %sign3A_10 : i32
    %sign3A_12 = arith.constant 0 : i32
    %sign3A_13 = arith.cmpi sgt, %jit3A, %sign3A_12 : i32
    %sign3A_14 = arith.extui %sign3A_13 : i1 to i32
    %sign3A_15 = arith.constant 0 : i32
    %sign3A_16 = arith.cmpi slt, %jit3A, %sign3A_15 : i32
    %sign3A_17 = arith.extui %sign3A_16 : i1 to i32
    %sign3A_18 = arith.subi %sign3A_14, %sign3A_17 : i32
    %ne3A = arith.cmpi ne, %sign3A_11, %sign3A_18 : i32
    %rem3A = arith.remsi %sub3A_5, %jit3A : i32
    %ne3A_19 = arith.constant 0 : i32
    %ne3A_20 = arith.cmpi ne, %rem3A, %ne3A_19 : i32
    %and3A = arith.andi %ne3A, %ne3A_20 : i1
    %sub3A_21 = arith.constant 1 : i32
    %sub3A_22 = arith.subi %div3A, %sub3A_21 : i32
    %select_n3A = arith.select %and3A, %sub3A_22, %div3A : i32
    %while3A = arith.constant 0 : i32
    %while3A_23 = arith.constant 0 : i32
    %while3A_24 = arith.subi %select_n3A, %while3A_23 : i32
    %while3A_25 = arith.addi %while3A_23, %while3A_24 : i32
    %while3A_26 = arith.constant 1 : i32
    %while3A_27 = arith.divsi %while3A_24, %while3A_26 : i32
    %while3A_28 = arith.muli %while3A_27, %while3A_26 : i32
    %while3A_29 = arith.addi %while3A_23, %while3A_28 : i32
    %while3A_30 = arith.constant 1 : i32
    scf.for %while3A_32 = %while3A_23 to %while3A_29 step %while3A_30  : i32 {
      %mul3A_33 = arith.constant 32 : i32
      %mul3A_34 = arith.muli %while3A_32, %mul3A_33 : i32
      %add3A_35 = arith.addi %add3A, %mul3A_34 : i32
      %mul3A_36 = arith.constant 128 : i32
      %mul3A_37 = arith.muli %add3A_35, %mul3A_36 : i32
      "tpu.region"() ({
        %run_scoped3A = tpu.sem_alloc : memref<!tpu.dma_semaphore, #tpu.memory_space<semaphore_mem>>
        %dma_start3A_42 = tpu.memref_slice %arg3[%mul3A_37] : memref<51200xi32, #tpu.memory_space<hbm>> -> memref<128xi32, #tpu.memory_space<hbm>>
        %dma_start3A_43 = tpu.memref_slice %arg3[%mul3A_37] : memref<51200xi32, #tpu.memory_space<hbm>> -> memref<128xi32, #tpu.memory_space<hbm>>
        tpu.enqueue_dma source(%dma_start3A_43 : memref<128xi32, #tpu.memory_space<hbm>>) target(%arg5 : memref<128xi32, #tpu.memory_space<vmem>>) target_semaphore(%run_scoped3A : memref<!tpu.dma_semaphore, #tpu.memory_space<semaphore_mem>>)
        %dma_wait3A_44 = tpu.memref_slice %arg3[%mul3A_37] : memref<51200xi32, #tpu.memory_space<hbm>> -> memref<128xi32, #tpu.memory_space<hbm>>
        %dma_wait3A_45 = tpu.memref_slice %arg3[%mul3A_37] : memref<51200xi32, #tpu.memory_space<hbm>> -> memref<128xi32, #tpu.memory_space<hbm>>
        tpu.wait_dma2 semaphore(%run_scoped3A : memref<!tpu.dma_semaphore, #tpu.memory_space<semaphore_mem>>) src(%dma_wait3A_45 : memref<128xi32, #tpu.memory_space<hbm>>) dst(%arg5 : memref<128xi32, #tpu.memory_space<vmem>>)
        tpu.yield
      }) : () -> ()
      %dma_start3A = arith.constant 0 : i32
      %dma_start3A_38 = arith.constant 0 : i32
      %dma_start3A_39 = tpu.memref_slice %arg2[%dma_start3A, %dma_start3A_38] : memref<100000x128xf32, #tpu.memory_space<hbm>> -> memref<100000x128xf32, #tpu.memory_space<hbm>>
      tpu.enqueue_indirect_dma source(%dma_start3A_39 : memref<100000x128xf32, #tpu.memory_space<hbm>>) target(%arg6 : memref<128x128xf32, #tpu.memory_space<vmem>>) offsets(%arg5 : memref<128xi32, #tpu.memory_space<vmem>>) semaphore(%arg7 : memref<!tpu.dma_semaphore, #tpu.memory_space<semaphore_mem>>)
      %dma_wait3A = arith.constant 0 : i32
      %dma_wait3A_40 = arith.constant 0 : i32
      %dma_wait3A_41 = tpu.memref_slice %arg2[%dma_wait3A, %dma_wait3A_40] : memref<100000x128xf32, #tpu.memory_space<hbm>> -> memref<100000x128xf32, #tpu.memory_space<hbm>>
      tpu.wait_indirect_dma semaphore(%arg7 : memref<!tpu.dma_semaphore, #tpu.memory_space<semaphore_mem>>) src(%dma_wait3A_41 : memref<100000x128xf32, #tpu.memory_space<hbm>>) dst(%arg6 : memref<128x128xf32, #tpu.memory_space<vmem>>)
      "tpu.region"() ({
        %run_scoped3A = tpu.sem_alloc : memref<!tpu.dma_semaphore, #tpu.memory_space<semaphore_mem>>
        %dma_start3A_42 = arith.constant 0 : i32
        %dma_start3A_43 = tpu.memref_slice %arg4[%mul3A_37, %dma_start3A_42] : memref<51200x128xf32, #tpu.memory_space<hbm>> -> memref<128x128xf32, #tpu.memory_space<hbm>>
        %dma_start3A_44 = arith.constant 0 : i32
        %dma_start3A_45 = tpu.memref_slice %arg4[%mul3A_37, %dma_start3A_44] : memref<51200x128xf32, #tpu.memory_space<hbm>> -> memref<128x128xf32, #tpu.memory_space<hbm>>
        tpu.enqueue_dma source(%arg6 : memref<128x128xf32, #tpu.memory_space<vmem>>) target(%dma_start3A_45 : memref<128x128xf32, #tpu.memory_space<hbm>>) target_semaphore(%run_scoped3A : memref<!tpu.dma_semaphore, #tpu.memory_space<semaphore_mem>>)
        %dma_wait3A_46 = arith.constant 0 : i32
        %dma_wait3A_47 = tpu.memref_slice %arg4[%mul3A_37, %dma_wait3A_46] : memref<51200x128xf32, #tpu.memory_space<hbm>> -> memref<128x128xf32, #tpu.memory_space<hbm>>
        %dma_wait3A_48 = arith.constant 0 : i32
        %dma_wait3A_49 = tpu.memref_slice %arg4[%mul3A_37, %dma_wait3A_48] : memref<51200x128xf32, #tpu.memory_space<hbm>> -> memref<128x128xf32, #tpu.memory_space<hbm>>
        tpu.wait_dma2 semaphore(%run_scoped3A : memref<!tpu.dma_semaphore, #tpu.memory_space<semaphore_mem>>) src(%arg6 : memref<128x128xf32, #tpu.memory_space<vmem>>) dst(%dma_wait3A_49 : memref<128x128xf32, #tpu.memory_space<hbm>>)
        tpu.yield
      }) : () -> ()
    }
    %while3A_31 = arith.constant 1 : i32
    scf.for %while3A_32 = %while3A_29 to %while3A_25 step %while3A_31  : i32 {
      %mul3A_33 = arith.constant 32 : i32
      %mul3A_34 = arith.muli %while3A_32, %mul3A_33 : i32
      %add3A_35 = arith.addi %add3A, %mul3A_34 : i32
      %mul3A_36 = arith.constant 128 : i32
      %mul3A_37 = arith.muli %add3A_35, %mul3A_36 : i32
      "tpu.region"() ({
        %run_scoped3A = tpu.sem_alloc : memref<!tpu.dma_semaphore, #tpu.memory_space<semaphore_mem>>
        %dma_start3A_42 = tpu.memref_slice %arg3[%mul3A_37] : memref<51200xi32, #tpu.memory_space<hbm>> -> memref<128xi32, #tpu.memory_space<hbm>>
        %dma_start3A_43 = tpu.memref_slice %arg3[%mul3A_37] : memref<51200xi32, #tpu.memory_space<hbm>> -> memref<128xi32, #tpu.memory_space<hbm>>
        tpu.enqueue_dma source(%dma_start3A_43 : memref<128xi32, #tpu.memory_space<hbm>>) target(%arg5 : memref<128xi32, #tpu.memory_space<vmem>>) target_semaphore(%run_scoped3A : memref<!tpu.dma_semaphore, #tpu.memory_space<semaphore_mem>>)
        %dma_wait3A_44 = tpu.memref_slice %arg3[%mul3A_37] : memref<51200xi32, #tpu.memory_space<hbm>> -> memref<128xi32, #tpu.memory_space<hbm>>
        %dma_wait3A_45 = tpu.memref_slice %arg3[%mul3A_37] : memref<51200xi32, #tpu.memory_space<hbm>> -> memref<128xi32, #tpu.memory_space<hbm>>
        tpu.wait_dma2 semaphore(%run_scoped3A : memref<!tpu.dma_semaphore, #tpu.memory_space<semaphore_mem>>) src(%dma_wait3A_45 : memref<128xi32, #tpu.memory_space<hbm>>) dst(%arg5 : memref<128xi32, #tpu.memory_space<vmem>>)
        tpu.yield
      }) : () -> ()
      %dma_start3A = arith.constant 0 : i32
      %dma_start3A_38 = arith.constant 0 : i32
      %dma_start3A_39 = tpu.memref_slice %arg2[%dma_start3A, %dma_start3A_38] : memref<100000x128xf32, #tpu.memory_space<hbm>> -> memref<100000x128xf32, #tpu.memory_space<hbm>>
      tpu.enqueue_indirect_dma source(%dma_start3A_39 : memref<100000x128xf32, #tpu.memory_space<hbm>>) target(%arg6 : memref<128x128xf32, #tpu.memory_space<vmem>>) offsets(%arg5 : memref<128xi32, #tpu.memory_space<vmem>>) semaphore(%arg7 : memref<!tpu.dma_semaphore, #tpu.memory_space<semaphore_mem>>)
      %dma_wait3A = arith.constant 0 : i32
      %dma_wait3A_40 = arith.constant 0 : i32
      %dma_wait3A_41 = tpu.memref_slice %arg2[%dma_wait3A, %dma_wait3A_40] : memref<100000x128xf32, #tpu.memory_space<hbm>> -> memref<100000x128xf32, #tpu.memory_space<hbm>>
      tpu.wait_indirect_dma semaphore(%arg7 : memref<!tpu.dma_semaphore, #tpu.memory_space<semaphore_mem>>) src(%dma_wait3A_41 : memref<100000x128xf32, #tpu.memory_space<hbm>>) dst(%arg6 : memref<128x128xf32, #tpu.memory_space<vmem>>)
      "tpu.region"() ({
        %run_scoped3A = tpu.sem_alloc : memref<!tpu.dma_semaphore, #tpu.memory_space<semaphore_mem>>
        %dma_start3A_42 = arith.constant 0 : i32
        %dma_start3A_43 = tpu.memref_slice %arg4[%mul3A_37, %dma_start3A_42] : memref<51200x128xf32, #tpu.memory_space<hbm>> -> memref<128x128xf32, #tpu.memory_space<hbm>>
        %dma_start3A_44 = arith.constant 0 : i32
        %dma_start3A_45 = tpu.memref_slice %arg4[%mul3A_37, %dma_start3A_44] : memref<51200x128xf32, #tpu.memory_space<hbm>> -> memref<128x128xf32, #tpu.memory_space<hbm>>
        tpu.enqueue_dma source(%arg6 : memref<128x128xf32, #tpu.memory_space<vmem>>) target(%dma_start3A_45 : memref<128x128xf32, #tpu.memory_space<hbm>>) target_semaphore(%run_scoped3A : memref<!tpu.dma_semaphore, #tpu.memory_space<semaphore_mem>>)
        %dma_wait3A_46 = arith.constant 0 : i32
        %dma_wait3A_47 = tpu.memref_slice %arg4[%mul3A_37, %dma_wait3A_46] : memref<51200x128xf32, #tpu.memory_space<hbm>> -> memref<128x128xf32, #tpu.memory_space<hbm>>
        %dma_wait3A_48 = arith.constant 0 : i32
        %dma_wait3A_49 = tpu.memref_slice %arg4[%mul3A_37, %dma_wait3A_48] : memref<51200x128xf32, #tpu.memory_space<hbm>> -> memref<128x128xf32, #tpu.memory_space<hbm>>
        tpu.wait_dma2 semaphore(%run_scoped3A : memref<!tpu.dma_semaphore, #tpu.memory_space<semaphore_mem>>) src(%arg6 : memref<128x128xf32, #tpu.memory_space<vmem>>) dst(%dma_wait3A_49 : memref<128x128xf32, #tpu.memory_space<hbm>>)
        tpu.yield
      }) : () -> ()
    }
    return
  }
}

module attributes {stable_mosaic.version = 14 : i64} {
  func.func @_bilstm_body(%arg0: i32, %arg1: memref<50x1024x128xf32, #tpu.memory_space<vmem>>, %arg2: memref<256x512xbf16, #tpu.memory_space<vmem>>, %arg3: memref<1x512xf32, #tpu.memory_space<vmem>>, %arg4: memref<256x512xbf16, #tpu.memory_space<vmem>>, %arg5: memref<1x512xf32, #tpu.memory_space<vmem>>, %arg6: memref<256x14xbf16, #tpu.memory_space<vmem>>, %arg7: memref<1x14xf32, #tpu.memory_space<vmem>>, %arg8: memref<1024x14xf32, #tpu.memory_space<vmem>>, %arg9: memref<1024x128xbf16, #tpu.memory_space<vmem>>, %arg10: memref<1024x128xf32, #tpu.memory_space<vmem>>, %arg11: memref<1024x128xbf16, #tpu.memory_space<vmem>>, %arg12: memref<1024x128xf32, #tpu.memory_space<vmem>>) attributes {dimension_semantics = [#tpu.dimension_semantics<arbitrary>], iteration_bounds = array<i64: 1>, scalar_prefetch = 0 : i64, scratch_operands = 4 : i64, tpu.core_type = #tpu.core_type<tc>, window_params = [{transform_indices = @transform_0, window_bounds = array<i64: 50, 1024, 128>}, {pipeline_mode = #tpu.pipeline_mode<synchronous>, transform_indices = @transform_1, window_bounds = array<i64: 256, 512>}, {pipeline_mode = #tpu.pipeline_mode<synchronous>, transform_indices = @transform_2, window_bounds = array<i64: 1, 512>}, {pipeline_mode = #tpu.pipeline_mode<synchronous>, transform_indices = @transform_3, window_bounds = array<i64: 256, 512>}, {pipeline_mode = #tpu.pipeline_mode<synchronous>, transform_indices = @transform_4, window_bounds = array<i64: 1, 512>}, {pipeline_mode = #tpu.pipeline_mode<synchronous>, transform_indices = @transform_5, window_bounds = array<i64: 256, 14>}, {pipeline_mode = #tpu.pipeline_mode<synchronous>, transform_indices = @transform_6, window_bounds = array<i64: 1, 14>}, {transform_indices = @transform_7, window_bounds = array<i64: 1024, 14>}]} {
    %broadcast_in_dim3A = arith.constant 0.000000e+00 : bf16
    %broadcast_in_dim3A_0 = vector.broadcast %broadcast_in_dim3A : bf16 to vector<1024x128xbf16>
    %swap3A = arith.constant 0 : index
    %swap3A_1 = arith.constant 0 : index
    %swap3A_2 = vector.load %arg9[%swap3A, %swap3A_1] : memref<1024x128xbf16, #tpu.memory_space<vmem>>, vector<1024x128xbf16>
    tpu.vector_store %arg9[%swap3A, %swap3A_1], %broadcast_in_dim3A_0 {strides = array<i32>} : memref<1024x128xbf16, #tpu.memory_space<vmem>>, vector<1024x128xbf16>,
    %broadcast_in_dim3A_3 = arith.constant 0.000000e+00 : bf16
    %broadcast_in_dim3A_4 = vector.broadcast %broadcast_in_dim3A_3 : bf16 to vector<1024x128xbf16>
    %swap3A_5 = arith.constant 0 : index
    %swap3A_6 = arith.constant 0 : index
    %swap3A_7 = vector.load %arg11[%swap3A_5, %swap3A_6] : memref<1024x128xbf16, #tpu.memory_space<vmem>>, vector<1024x128xbf16>
    tpu.vector_store %arg11[%swap3A_5, %swap3A_6], %broadcast_in_dim3A_4 {strides = array<i32>} : memref<1024x128xbf16, #tpu.memory_space<vmem>>, vector<1024x128xbf16>,
    %broadcast_in_dim3A_8 = arith.constant 0.000000e+00 : f32
    %broadcast_in_dim3A_9 = vector.broadcast %broadcast_in_dim3A_8 : f32 to vector<1024x128xf32>
    %swap3A_10 = arith.constant 0 : index
    %swap3A_11 = arith.constant 0 : index
    %swap3A_12 = vector.load %arg10[%swap3A_10, %swap3A_11] : memref<1024x128xf32, #tpu.memory_space<vmem>>, vector<1024x128xf32>
    tpu.vector_store %arg10[%swap3A_10, %swap3A_11], %broadcast_in_dim3A_9 {strides = array<i32>} : memref<1024x128xf32, #tpu.memory_space<vmem>>, vector<1024x128xf32>,
    %broadcast_in_dim3A_13 = arith.constant 0.000000e+00 : f32
    %broadcast_in_dim3A_14 = vector.broadcast %broadcast_in_dim3A_13 : f32 to vector<1024x128xf32>
    %swap3A_15 = arith.constant 0 : index
    %swap3A_16 = arith.constant 0 : index
    %swap3A_17 = vector.load %arg12[%swap3A_15, %swap3A_16] : memref<1024x128xf32, #tpu.memory_space<vmem>>, vector<1024x128xf32>
    tpu.vector_store %arg12[%swap3A_15, %swap3A_16], %broadcast_in_dim3A_14 {strides = array<i32>} : memref<1024x128xf32, #tpu.memory_space<vmem>>, vector<1024x128xf32>,
    %scan3A = arith.constant 0 : i32
    %scan3A_18 = arith.constant 50 : i32
    %scan3A_19 = arith.addi %scan3A, %scan3A_18 : i32
    %scan3A_20 = arith.constant 1 : i32
    scf.for %scan3A_40 = %scan3A to %scan3A_19 step %scan3A_20  : i32 {
      %get3A_41 = arith.index_cast %scan3A_40 : i32 to index
      %get3A_42 = arith.constant 0 : index
      %get3A_43 = arith.constant 0 : index
      %get3A_44 = vector.load %arg1[%get3A_41, %get3A_42, %get3A_43] : memref<50x1024x128xf32, #tpu.memory_space<vmem>>, vector<1x1024x128xf32>
      %get3A_45 = vector.shape_cast %get3A_44 : vector<1x1024x128xf32> to vector<1024x128xf32>
      %convert_element_type3A = arith.truncf %get3A_45 : vector<1024x128xf32> to vector<1024x128xbf16>
      %get3A_46 = arith.constant 0 : index
      %get3A_47 = arith.constant 0 : index
      %get3A_48 = vector.load %arg9[%get3A_46, %get3A_47] : memref<1024x128xbf16, #tpu.memory_space<vmem>>, vector<1024x128xbf16>
      %concatenate3A_49 = tpu.concatenate %convert_element_type3A, %get3A_48 in 1 : vector<1024x128xbf16>, vector<1024x128xbf16> -> vector<1024x256xbf16>
      %slice3A = vector.extract_strided_slice %concatenate3A_49 {offsets = [0, 0], sizes = [256, 256], strides = [1, 1]} : vector<1024x256xbf16> to vector<256x256xbf16>
      %get3A_50 = arith.constant 0 : index
      %get3A_51 = arith.constant 0 : index
      %get3A_52 = vector.load %arg2[%get3A_50, %get3A_51] : memref<256x512xbf16, #tpu.memory_space<vmem>>, vector<256x512xbf16>
      %dot_general3A_53 = arith.constant dense<0.000000e+00> : vector<256x512xf32>
      %dot_general3A_54 = tpu.matmul %slice3A, %get3A_52, %dot_general3A_53 {dimension_numbers = #tpu.dot_dimension_numbers<[1], [0], [0], [1], [0, 0, 1, 1], [], []>, transpose_lhs_hint = false} : vector<256x256xbf16>, vector<256x512xbf16>, vector<256x512xf32> -> vector<256x512xf32>
      %slice3A_55 = vector.extract_strided_slice %dot_general3A_54 {offsets = [0, 0], sizes = [256, 128], strides = [1, 1]} : vector<256x512xf32> to vector<256x128xf32>
      %mul3A = arith.constant 5.000000e-01 : f32
      %mul3A_56 = vector.broadcast %mul3A : f32 to vector<256x128xf32>
      %mul3A_57 = arith.mulf %mul3A_56, %slice3A_55 : vector<256x128xf32>
      %tanh3A = math.tanh %mul3A_57 : vector<256x128xf32>
      %mul3A_58 = arith.constant 5.000000e-01 : f32
      %mul3A_59 = vector.broadcast %mul3A_58 : f32 to vector<256x128xf32>
      %mul3A_60 = arith.mulf %mul3A_59, %tanh3A : vector<256x128xf32>
      %add3A = arith.constant 5.000000e-01 : f32
      %add3A_61 = vector.broadcast %add3A : f32 to vector<256x128xf32>
      %add3A_62 = arith.addf %mul3A_60, %add3A_61 : vector<256x128xf32>
      %slice3A_63 = vector.extract_strided_slice %dot_general3A_54 {offsets = [0, 128], sizes = [256, 128], strides = [1, 1]} : vector<256x512xf32> to vector<256x128xf32>
      %mul3A_64 = arith.constant 5.000000e-01 : f32
      %mul3A_65 = vector.broadcast %mul3A_64 : f32 to vector<256x128xf32>
      %mul3A_66 = arith.mulf %mul3A_65, %slice3A_63 : vector<256x128xf32>
      %tanh3A_67 = math.tanh %mul3A_66 : vector<256x128xf32>
      %mul3A_68 = arith.constant 5.000000e-01 : f32
      %mul3A_69 = vector.broadcast %mul3A_68 : f32 to vector<256x128xf32>
      %mul3A_70 = arith.mulf %mul3A_69, %tanh3A_67 : vector<256x128xf32>
      %add3A_71 = arith.constant 5.000000e-01 : f32
      %add3A_72 = vector.broadcast %add3A_71 : f32 to vector<256x128xf32>
      %add3A_73 = arith.addf %mul3A_70, %add3A_72 : vector<256x128xf32>
      %slice3A_74 = vector.extract_strided_slice %dot_general3A_54 {offsets = [0, 256], sizes = [256, 128], strides = [1, 1]} : vector<256x512xf32> to vector<256x128xf32>
      %tanh3A_75 = math.tanh %slice3A_74 : vector<256x128xf32>
      %slice3A_76 = vector.extract_strided_slice %dot_general3A_54 {offsets = [0, 384], sizes = [256, 128], strides = [1, 1]} : vector<256x512xf32> to vector<256x128xf32>
      %mul3A_77 = arith.constant 5.000000e-01 : f32
      %mul3A_78 = vector.broadcast %mul3A_77 : f32 to vector<256x128xf32>
      %mul3A_79 = arith.mulf %mul3A_78, %slice3A_76 : vector<256x128xf32>
      %tanh3A_80 = math.tanh %mul3A_79 : vector<256x128xf32>
      %mul3A_81 = arith.constant 5.000000e-01 : f32
      %mul3A_82 = vector.broadcast %mul3A_81 : f32 to vector<256x128xf32>
      %mul3A_83 = arith.mulf %mul3A_82, %tanh3A_80 : vector<256x128xf32>
      %add3A_84 = arith.constant 5.000000e-01 : f32
      %add3A_85 = vector.broadcast %add3A_84 : f32 to vector<256x128xf32>
      %add3A_86 = arith.addf %mul3A_83, %add3A_85 : vector<256x128xf32>
      %get3A_87 = arith.constant 0 : index
      %get3A_88 = arith.constant 0 : index
      %get3A_89 = vector.load %arg10[%get3A_87, %get3A_88] : memref<1024x128xf32, #tpu.memory_space<vmem>>, vector<256x128xf32>
      %mul3A_90 = arith.mulf %add3A_73, %get3A_89 : vector<256x128xf32>
      %mul3A_91 = arith.mulf %add3A_62, %tanh3A_75 : vector<256x128xf32>
      %add3A_92 = arith.addf %mul3A_90, %mul3A_91 : vector<256x128xf32>
      %swap3A_93 = arith.constant 0 : index
      %swap3A_94 = arith.constant 0 : index
      %swap3A_95 = vector.load %arg10[%swap3A_93, %swap3A_94] : memref<1024x128xf32, #tpu.memory_space<vmem>>, vector<256x128xf32>
      tpu.vector_store %arg10[%swap3A_93, %swap3A_94], %add3A_92 {strides = array<i32>} : memref<1024x128xf32, #tpu.memory_space<vmem>>, vector<256x128xf32>,
      %tanh3A_96 = math.tanh %add3A_92 : vector<256x128xf32>
      %mul3A_97 = arith.mulf %add3A_86, %tanh3A_96 : vector<256x128xf32>
      %convert_element_type3A_98 = arith.truncf %mul3A_97 : vector<256x128xf32> to vector<256x128xbf16>
      %swap3A_99 = arith.constant 0 : index
      %swap3A_100 = arith.constant 0 : index
      %swap3A_101 = vector.load %arg9[%swap3A_99, %swap3A_100] : memref<1024x128xbf16, #tpu.memory_space<vmem>>, vector<256x128xbf16>
      tpu.vector_store %arg9[%swap3A_99, %swap3A_100], %convert_element_type3A_98 {strides = array<i32>} : memref<1024x128xbf16, #tpu.memory_space<vmem>>, vector<256x128xbf16>,
      %slice3A_102 = vector.extract_strided_slice %concatenate3A_49 {offsets = [256, 0], sizes = [256, 256], strides = [1, 1]} : vector<1024x256xbf16> to vector<256x256xbf16>
      %get3A_103 = arith.constant 0 : index
      %get3A_104 = arith.constant 0 : index
      %get3A_105 = vector.load %arg2[%get3A_103, %get3A_104] : memref<256x512xbf16, #tpu.memory_space<vmem>>, vector<256x512xbf16>
      %dot_general3A_106 = arith.constant dense<0.000000e+00> : vector<256x512xf32>
      %dot_general3A_107 = tpu.matmul %slice3A_102, %get3A_105, %dot_general3A_106 {dimension_numbers = #tpu.dot_dimension_numbers<[1], [0], [0], [1], [0, 0, 1, 1], [], []>, transpose_lhs_hint = false} : vector<256x256xbf16>, vector<256x512xbf16>, vector<256x512xf32> -> vector<256x512xf32>
      %slice3A_108 = vector.extract_strided_slice %dot_general3A_107 {offsets = [0, 0], sizes = [256, 128], strides = [1, 1]} : vector<256x512xf32> to vector<256x128xf32>
      %mul3A_109 = arith.constant 5.000000e-01 : f32
      %mul3A_110 = vector.broadcast %mul3A_109 : f32 to vector<256x128xf32>
      %mul3A_111 = arith.mulf %mul3A_110, %slice3A_108 : vector<256x128xf32>
      %tanh3A_112 = math.tanh %mul3A_111 : vector<256x128xf32>
      %mul3A_113 = arith.constant 5.000000e-01 : f32
      %mul3A_114 = vector.broadcast %mul3A_113 : f32 to vector<256x128xf32>
      %mul3A_115 = arith.mulf %mul3A_114, %tanh3A_112 : vector<256x128xf32>
      %add3A_116 = arith.constant 5.000000e-01 : f32
      %add3A_117 = vector.broadcast %add3A_116 : f32 to vector<256x128xf32>
      %add3A_118 = arith.addf %mul3A_115, %add3A_117 : vector<256x128xf32>
      %slice3A_119 = vector.extract_strided_slice %dot_general3A_107 {offsets = [0, 128], sizes = [256, 128], strides = [1, 1]} : vector<256x512xf32> to vector<256x128xf32>
      %mul3A_120 = arith.constant 5.000000e-01 : f32
      %mul3A_121 = vector.broadcast %mul3A_120 : f32 to vector<256x128xf32>
      %mul3A_122 = arith.mulf %mul3A_121, %slice3A_119 : vector<256x128xf32>
      %tanh3A_123 = math.tanh %mul3A_122 : vector<256x128xf32>
      %mul3A_124 = arith.constant 5.000000e-01 : f32
      %mul3A_125 = vector.broadcast %mul3A_124 : f32 to vector<256x128xf32>
      %mul3A_126 = arith.mulf %mul3A_125, %tanh3A_123 : vector<256x128xf32>
      %add3A_127 = arith.constant 5.000000e-01 : f32
      %add3A_128 = vector.broadcast %add3A_127 : f32 to vector<256x128xf32>
      %add3A_129 = arith.addf %mul3A_126, %add3A_128 : vector<256x128xf32>
      %slice3A_130 = vector.extract_strided_slice %dot_general3A_107 {offsets = [0, 256], sizes = [256, 128], strides = [1, 1]} : vector<256x512xf32> to vector<256x128xf32>
      %tanh3A_131 = math.tanh %slice3A_130 : vector<256x128xf32>
      %slice3A_132 = vector.extract_strided_slice %dot_general3A_107 {offsets = [0, 384], sizes = [256, 128], strides = [1, 1]} : vector<256x512xf32> to vector<256x128xf32>
      %mul3A_133 = arith.constant 5.000000e-01 : f32
      %mul3A_134 = vector.broadcast %mul3A_133 : f32 to vector<256x128xf32>
      %mul3A_135 = arith.mulf %mul3A_134, %slice3A_132 : vector<256x128xf32>
      %tanh3A_136 = math.tanh %mul3A_135 : vector<256x128xf32>
      %mul3A_137 = arith.constant 5.000000e-01 : f32
      %mul3A_138 = vector.broadcast %mul3A_137 : f32 to vector<256x128xf32>
      %mul3A_139 = arith.mulf %mul3A_138, %tanh3A_136 : vector<256x128xf32>
      %add3A_140 = arith.constant 5.000000e-01 : f32
      %add3A_141 = vector.broadcast %add3A_140 : f32 to vector<256x128xf32>
      %add3A_142 = arith.addf %mul3A_139, %add3A_141 : vector<256x128xf32>
      %get3A_143 = arith.constant 256 : index
      %get3A_144 = arith.constant 0 : index
      %get3A_145 = vector.load %arg10[%get3A_143, %get3A_144] : memref<1024x128xf32, #tpu.memory_space<vmem>>, vector<256x128xf32>
      %mul3A_146 = arith.mulf %add3A_129, %get3A_145 : vector<256x128xf32>
      %mul3A_147 = arith.mulf %add3A_118, %tanh3A_131 : vector<256x128xf32>
      %add3A_148 = arith.addf %mul3A_146, %mul3A_147 : vector<256x128xf32>
      %swap3A_149 = arith.constant 256 : index
      %swap3A_150 = arith.constant 0 : index
      %swap3A_151 = vector.load %arg10[%swap3A_149, %swap3A_150] : memref<1024x128xf32, #tpu.memory_space<vmem>>, vector<256x128xf32>
      tpu.vector_store %arg10[%swap3A_149, %swap3A_150], %add3A_148 {strides = array<i32>} : memref<1024x128xf32, #tpu.memory_space<vmem>>, vector<256x128xf32>,
      %tanh3A_152 = math.tanh %add3A_148 : vector<256x128xf32>
      %mul3A_153 = arith.mulf %add3A_142, %tanh3A_152 : vector<256x128xf32>
      %convert_element_type3A_154 = arith.truncf %mul3A_153 : vector<256x128xf32> to vector<256x128xbf16>
      %swap3A_155 = arith.constant 256 : index
      %swap3A_156 = arith.constant 0 : index
      %swap3A_157 = vector.load %arg9[%swap3A_155, %swap3A_156] : memref<1024x128xbf16, #tpu.memory_space<vmem>>, vector<256x128xbf16>
      tpu.vector_store %arg9[%swap3A_155, %swap3A_156], %convert_element_type3A_154 {strides = array<i32>} : memref<1024x128xbf16, #tpu.memory_space<vmem>>, vector<256x128xbf16>,
      %slice3A_158 = vector.extract_strided_slice %concatenate3A_49 {offsets = [512, 0], sizes = [256, 256], strides = [1, 1]} : vector<1024x256xbf16> to vector<256x256xbf16>
      %get3A_159 = arith.constant 0 : index
      %get3A_160 = arith.constant 0 : index
      %get3A_161 = vector.load %arg2[%get3A_159, %get3A_160] : memref<256x512xbf16, #tpu.memory_space<vmem>>, vector<256x512xbf16>
      %dot_general3A_162 = arith.constant dense<0.000000e+00> : vector<256x512xf32>
      %dot_general3A_163 = tpu.matmul %slice3A_158, %get3A_161, %dot_general3A_162 {dimension_numbers = #tpu.dot_dimension_numbers<[1], [0], [0], [1], [0, 0, 1, 1], [], []>, transpose_lhs_hint = false} : vector<256x256xbf16>, vector<256x512xbf16>, vector<256x512xf32> -> vector<256x512xf32>
      %slice3A_164 = vector.extract_strided_slice %dot_general3A_163 {offsets = [0, 0], sizes = [256, 128], strides = [1, 1]} : vector<256x512xf32> to vector<256x128xf32>
      %mul3A_165 = arith.constant 5.000000e-01 : f32
      %mul3A_166 = vector.broadcast %mul3A_165 : f32 to vector<256x128xf32>
      %mul3A_167 = arith.mulf %mul3A_166, %slice3A_164 : vector<256x128xf32>
      %tanh3A_168 = math.tanh %mul3A_167 : vector<256x128xf32>
      %mul3A_169 = arith.constant 5.000000e-01 : f32
      %mul3A_170 = vector.broadcast %mul3A_169 : f32 to vector<256x128xf32>
      %mul3A_171 = arith.mulf %mul3A_170, %tanh3A_168 : vector<256x128xf32>
      %add3A_172 = arith.constant 5.000000e-01 : f32
      %add3A_173 = vector.broadcast %add3A_172 : f32 to vector<256x128xf32>
      %add3A_174 = arith.addf %mul3A_171, %add3A_173 : vector<256x128xf32>
      %slice3A_175 = vector.extract_strided_slice %dot_general3A_163 {offsets = [0, 128], sizes = [256, 128], strides = [1, 1]} : vector<256x512xf32> to vector<256x128xf32>
      %mul3A_176 = arith.constant 5.000000e-01 : f32
      %mul3A_177 = vector.broadcast %mul3A_176 : f32 to vector<256x128xf32>
      %mul3A_178 = arith.mulf %mul3A_177, %slice3A_175 : vector<256x128xf32>
      %tanh3A_179 = math.tanh %mul3A_178 : vector<256x128xf32>
      %mul3A_180 = arith.constant 5.000000e-01 : f32
      %mul3A_181 = vector.broadcast %mul3A_180 : f32 to vector<256x128xf32>
      %mul3A_182 = arith.mulf %mul3A_181, %tanh3A_179 : vector<256x128xf32>
      %add3A_183 = arith.constant 5.000000e-01 : f32
      %add3A_184 = vector.broadcast %add3A_183 : f32 to vector<256x128xf32>
      %add3A_185 = arith.addf %mul3A_182, %add3A_184 : vector<256x128xf32>
      %slice3A_186 = vector.extract_strided_slice %dot_general3A_163 {offsets = [0, 256], sizes = [256, 128], strides = [1, 1]} : vector<256x512xf32> to vector<256x128xf32>
      %tanh3A_187 = math.tanh %slice3A_186 : vector<256x128xf32>
      %slice3A_188 = vector.extract_strided_slice %dot_general3A_163 {offsets = [0, 384], sizes = [256, 128], strides = [1, 1]} : vector<256x512xf32> to vector<256x128xf32>
      %mul3A_189 = arith.constant 5.000000e-01 : f32
      %mul3A_190 = vector.broadcast %mul3A_189 : f32 to vector<256x128xf32>
      %mul3A_191 = arith.mulf %mul3A_190, %slice3A_188 : vector<256x128xf32>
      %tanh3A_192 = math.tanh %mul3A_191 : vector<256x128xf32>
      %mul3A_193 = arith.constant 5.000000e-01 : f32
      %mul3A_194 = vector.broadcast %mul3A_193 : f32 to vector<256x128xf32>
      %mul3A_195 = arith.mulf %mul3A_194, %tanh3A_192 : vector<256x128xf32>
      %add3A_196 = arith.constant 5.000000e-01 : f32
      %add3A_197 = vector.broadcast %add3A_196 : f32 to vector<256x128xf32>
      %add3A_198 = arith.addf %mul3A_195, %add3A_197 : vector<256x128xf32>
      %get3A_199 = arith.constant 512 : index
      %get3A_200 = arith.constant 0 : index
      %get3A_201 = vector.load %arg10[%get3A_199, %get3A_200] : memref<1024x128xf32, #tpu.memory_space<vmem>>, vector<256x128xf32>
      %mul3A_202 = arith.mulf %add3A_185, %get3A_201 : vector<256x128xf32>
      %mul3A_203 = arith.mulf %add3A_174, %tanh3A_187 : vector<256x128xf32>
      %add3A_204 = arith.addf %mul3A_202, %mul3A_203 : vector<256x128xf32>
      %swap3A_205 = arith.constant 512 : index
      %swap3A_206 = arith.constant 0 : index
      %swap3A_207 = vector.load %arg10[%swap3A_205, %swap3A_206] : memref<1024x128xf32, #tpu.memory_space<vmem>>, vector<256x128xf32>
      tpu.vector_store %arg10[%swap3A_205, %swap3A_206], %add3A_204 {strides = array<i32>} : memref<1024x128xf32, #tpu.memory_space<vmem>>, vector<256x128xf32>,
      %tanh3A_208 = math.tanh %add3A_204 : vector<256x128xf32>
      %mul3A_209 = arith.mulf %add3A_198, %tanh3A_208 : vector<256x128xf32>
      %convert_element_type3A_210 = arith.truncf %mul3A_209 : vector<256x128xf32> to vector<256x128xbf16>
      %swap3A_211 = arith.constant 512 : index
      %swap3A_212 = arith.constant 0 : index
      %swap3A_213 = vector.load %arg9[%swap3A_211, %swap3A_212] : memref<1024x128xbf16, #tpu.memory_space<vmem>>, vector<256x128xbf16>
      tpu.vector_store %arg9[%swap3A_211, %swap3A_212], %convert_element_type3A_210 {strides = array<i32>} : memref<1024x128xbf16, #tpu.memory_space<vmem>>, vector<256x128xbf16>,
      %slice3A_214 = vector.extract_strided_slice %concatenate3A_49 {offsets = [768, 0], sizes = [256, 256], strides = [1, 1]} : vector<1024x256xbf16> to vector<256x256xbf16>
      %get3A_215 = arith.constant 0 : index
      %get3A_216 = arith.constant 0 : index
      %get3A_217 = vector.load %arg2[%get3A_215, %get3A_216] : memref<256x512xbf16, #tpu.memory_space<vmem>>, vector<256x512xbf16>
      %dot_general3A_218 = arith.constant dense<0.000000e+00> : vector<256x512xf32>
      %dot_general3A_219 = tpu.matmul %slice3A_214, %get3A_217, %dot_general3A_218 {dimension_numbers = #tpu.dot_dimension_numbers<[1], [0], [0], [1], [0, 0, 1, 1], [], []>, transpose_lhs_hint = false} : vector<256x256xbf16>, vector<256x512xbf16>, vector<256x512xf32> -> vector<256x512xf32>
      %slice3A_220 = vector.extract_strided_slice %dot_general3A_219 {offsets = [0, 0], sizes = [256, 128], strides = [1, 1]} : vector<256x512xf32> to vector<256x128xf32>
      %mul3A_221 = arith.constant 5.000000e-01 : f32
      %mul3A_222 = vector.broadcast %mul3A_221 : f32 to vector<256x128xf32>
      %mul3A_223 = arith.mulf %mul3A_222, %slice3A_220 : vector<256x128xf32>
      %tanh3A_224 = math.tanh %mul3A_223 : vector<256x128xf32>
      %mul3A_225 = arith.constant 5.000000e-01 : f32
      %mul3A_226 = vector.broadcast %mul3A_225 : f32 to vector<256x128xf32>
      %mul3A_227 = arith.mulf %mul3A_226, %tanh3A_224 : vector<256x128xf32>
      %add3A_228 = arith.constant 5.000000e-01 : f32
      %add3A_229 = vector.broadcast %add3A_228 : f32 to vector<256x128xf32>
      %add3A_230 = arith.addf %mul3A_227, %add3A_229 : vector<256x128xf32>
      %slice3A_231 = vector.extract_strided_slice %dot_general3A_219 {offsets = [0, 128], sizes = [256, 128], strides = [1, 1]} : vector<256x512xf32> to vector<256x128xf32>
      %mul3A_232 = arith.constant 5.000000e-01 : f32
      %mul3A_233 = vector.broadcast %mul3A_232 : f32 to vector<256x128xf32>
      %mul3A_234 = arith.mulf %mul3A_233, %slice3A_231 : vector<256x128xf32>
      %tanh3A_235 = math.tanh %mul3A_234 : vector<256x128xf32>
      %mul3A_236 = arith.constant 5.000000e-01 : f32
      %mul3A_237 = vector.broadcast %mul3A_236 : f32 to vector<256x128xf32>
      %mul3A_238 = arith.mulf %mul3A_237, %tanh3A_235 : vector<256x128xf32>
      %add3A_239 = arith.constant 5.000000e-01 : f32
      %add3A_240 = vector.broadcast %add3A_239 : f32 to vector<256x128xf32>
      %add3A_241 = arith.addf %mul3A_238, %add3A_240 : vector<256x128xf32>
      %slice3A_242 = vector.extract_strided_slice %dot_general3A_219 {offsets = [0, 256], sizes = [256, 128], strides = [1, 1]} : vector<256x512xf32> to vector<256x128xf32>
      %tanh3A_243 = math.tanh %slice3A_242 : vector<256x128xf32>
      %slice3A_244 = vector.extract_strided_slice %dot_general3A_219 {offsets = [0, 384], sizes = [256, 128], strides = [1, 1]} : vector<256x512xf32> to vector<256x128xf32>
      %mul3A_245 = arith.constant 5.000000e-01 : f32
      %mul3A_246 = vector.broadcast %mul3A_245 : f32 to vector<256x128xf32>
      %mul3A_247 = arith.mulf %mul3A_246, %slice3A_244 : vector<256x128xf32>
      %tanh3A_248 = math.tanh %mul3A_247 : vector<256x128xf32>
      %mul3A_249 = arith.constant 5.000000e-01 : f32
      %mul3A_250 = vector.broadcast %mul3A_249 : f32 to vector<256x128xf32>
      %mul3A_251 = arith.mulf %mul3A_250, %tanh3A_248 : vector<256x128xf32>
      %add3A_252 = arith.constant 5.000000e-01 : f32
      %add3A_253 = vector.broadcast %add3A_252 : f32 to vector<256x128xf32>
      %add3A_254 = arith.addf %mul3A_251, %add3A_253 : vector<256x128xf32>
      %get3A_255 = arith.constant 768 : index
      %get3A_256 = arith.constant 0 : index
      %get3A_257 = vector.load %arg10[%get3A_255, %get3A_256] : memref<1024x128xf32, #tpu.memory_space<vmem>>, vector<256x128xf32>
      %mul3A_258 = arith.mulf %add3A_241, %get3A_257 : vector<256x128xf32>
      %mul3A_259 = arith.mulf %add3A_230, %tanh3A_243 : vector<256x128xf32>
      %add3A_260 = arith.addf %mul3A_258, %mul3A_259 : vector<256x128xf32>
      %swap3A_261 = arith.constant 768 : index
      %swap3A_262 = arith.constant 0 : index
      %swap3A_263 = vector.load %arg10[%swap3A_261, %swap3A_262] : memref<1024x128xf32, #tpu.memory_space<vmem>>, vector<256x128xf32>
      tpu.vector_store %arg10[%swap3A_261, %swap3A_262], %add3A_260 {strides = array<i32>} : memref<1024x128xf32, #tpu.memory_space<vmem>>, vector<256x128xf32>,
      %tanh3A_264 = math.tanh %add3A_260 : vector<256x128xf32>
      %mul3A_265 = arith.mulf %add3A_254, %tanh3A_264 : vector<256x128xf32>
      %convert_element_type3A_266 = arith.truncf %mul3A_265 : vector<256x128xf32> to vector<256x128xbf16>
      %swap3A_267 = arith.constant 768 : index
      %swap3A_268 = arith.constant 0 : index
      %swap3A_269 = vector.load %arg9[%swap3A_267, %swap3A_268] : memref<1024x128xbf16, #tpu.memory_space<vmem>>, vector<256x128xbf16>
      tpu.vector_store %arg9[%swap3A_267, %swap3A_268], %convert_element_type3A_266 {strides = array<i32>} : memref<1024x128xbf16, #tpu.memory_space<vmem>>, vector<256x128xbf16>,
      %sub3A_270 = arith.constant 49 : i32
      %sub3A_271 = arith.subi %sub3A_270, %scan3A_40 : i32
      %get3A_272 = arith.index_cast %sub3A_271 : i32 to index
      %get3A_273 = arith.constant 0 : index
      %get3A_274 = arith.constant 0 : index
      %get3A_275 = vector.load %arg1[%get3A_272, %get3A_273, %get3A_274] : memref<50x1024x128xf32, #tpu.memory_space<vmem>>, vector<1x1024x128xf32>
      %get3A_276 = vector.shape_cast %get3A_275 : vector<1x1024x128xf32> to vector<1024x128xf32>
      %convert_element_type3A_277 = arith.truncf %get3A_276 : vector<1024x128xf32> to vector<1024x128xbf16>
      %get3A_278 = arith.constant 0 : index
      %get3A_279 = arith.constant 0 : index
      %get3A_280 = vector.load %arg11[%get3A_278, %get3A_279] : memref<1024x128xbf16, #tpu.memory_space<vmem>>, vector<1024x128xbf16>
      %concatenate3A_281 = tpu.concatenate %convert_element_type3A_277, %get3A_280 in 1 : vector<1024x128xbf16>, vector<1024x128xbf16> -> vector<1024x256xbf16>
      %slice3A_282 = vector.extract_strided_slice %concatenate3A_281 {offsets = [0, 0], sizes = [256, 256], strides = [1, 1]} : vector<1024x256xbf16> to vector<256x256xbf16>
      %get3A_283 = arith.constant 0 : index
      %get3A_284 = arith.constant 0 : index
      %get3A_285 = vector.load %arg4[%get3A_283, %get3A_284] : memref<256x512xbf16, #tpu.memory_space<vmem>>, vector<256x512xbf16>
      %dot_general3A_286 = arith.constant dense<0.000000e+00> : vector<256x512xf32>
      %dot_general3A_287 = tpu.matmul %slice3A_282, %get3A_285, %dot_general3A_286 {dimension_numbers = #tpu.dot_dimension_numbers<[1], [0], [0], [1], [0, 0, 1, 1], [], []>, transpose_lhs_hint = false} : vector<256x256xbf16>, vector<256x512xbf16>, vector<256x512xf32> -> vector<256x512xf32>
      %slice3A_288 = vector.extract_strided_slice %dot_general3A_287 {offsets = [0, 0], sizes = [256, 128], strides = [1, 1]} : vector<256x512xf32> to vector<256x128xf32>
      %mul3A_289 = arith.constant 5.000000e-01 : f32
      %mul3A_290 = vector.broadcast %mul3A_289 : f32 to vector<256x128xf32>
      %mul3A_291 = arith.mulf %mul3A_290, %slice3A_288 : vector<256x128xf32>
      %tanh3A_292 = math.tanh %mul3A_291 : vector<256x128xf32>
      %mul3A_293 = arith.constant 5.000000e-01 : f32
      %mul3A_294 = vector.broadcast %mul3A_293 : f32 to vector<256x128xf32>
      %mul3A_295 = arith.mulf %mul3A_294, %tanh3A_292 : vector<256x128xf32>
      %add3A_296 = arith.constant 5.000000e-01 : f32
      %add3A_297 = vector.broadcast %add3A_296 : f32 to vector<256x128xf32>
      %add3A_298 = arith.addf %mul3A_295, %add3A_297 : vector<256x128xf32>
      %slice3A_299 = vector.extract_strided_slice %dot_general3A_287 {offsets = [0, 128], sizes = [256, 128], strides = [1, 1]} : vector<256x512xf32> to vector<256x128xf32>
      %mul3A_300 = arith.constant 5.000000e-01 : f32
      %mul3A_301 = vector.broadcast %mul3A_300 : f32 to vector<256x128xf32>
      %mul3A_302 = arith.mulf %mul3A_301, %slice3A_299 : vector<256x128xf32>
      %tanh3A_303 = math.tanh %mul3A_302 : vector<256x128xf32>
      %mul3A_304 = arith.constant 5.000000e-01 : f32
      %mul3A_305 = vector.broadcast %mul3A_304 : f32 to vector<256x128xf32>
      %mul3A_306 = arith.mulf %mul3A_305, %tanh3A_303 : vector<256x128xf32>
      %add3A_307 = arith.constant 5.000000e-01 : f32
      %add3A_308 = vector.broadcast %add3A_307 : f32 to vector<256x128xf32>
      %add3A_309 = arith.addf %mul3A_306, %add3A_308 : vector<256x128xf32>
      %slice3A_310 = vector.extract_strided_slice %dot_general3A_287 {offsets = [0, 256], sizes = [256, 128], strides = [1, 1]} : vector<256x512xf32> to vector<256x128xf32>
      %tanh3A_311 = math.tanh %slice3A_310 : vector<256x128xf32>
      %slice3A_312 = vector.extract_strided_slice %dot_general3A_287 {offsets = [0, 384], sizes = [256, 128], strides = [1, 1]} : vector<256x512xf32> to vector<256x128xf32>
      %mul3A_313 = arith.constant 5.000000e-01 : f32
      %mul3A_314 = vector.broadcast %mul3A_313 : f32 to vector<256x128xf32>
      %mul3A_315 = arith.mulf %mul3A_314, %slice3A_312 : vector<256x128xf32>
      %tanh3A_316 = math.tanh %mul3A_315 : vector<256x128xf32>
      %mul3A_317 = arith.constant 5.000000e-01 : f32
      %mul3A_318 = vector.broadcast %mul3A_317 : f32 to vector<256x128xf32>
      %mul3A_319 = arith.mulf %mul3A_318, %tanh3A_316 : vector<256x128xf32>
      %add3A_320 = arith.constant 5.000000e-01 : f32
      %add3A_321 = vector.broadcast %add3A_320 : f32 to vector<256x128xf32>
      %add3A_322 = arith.addf %mul3A_319, %add3A_321 : vector<256x128xf32>
      %get3A_323 = arith.constant 0 : index
      %get3A_324 = arith.constant 0 : index
      %get3A_325 = vector.load %arg12[%get3A_323, %get3A_324] : memref<1024x128xf32, #tpu.memory_space<vmem>>, vector<256x128xf32>
      %mul3A_326 = arith.mulf %add3A_309, %get3A_325 : vector<256x128xf32>
      %mul3A_327 = arith.mulf %add3A_298, %tanh3A_311 : vector<256x128xf32>
      %add3A_328 = arith.addf %mul3A_326, %mul3A_327 : vector<256x128xf32>
      %swap3A_329 = arith.constant 0 : index
      %swap3A_330 = arith.constant 0 : index
      %swap3A_331 = vector.load %arg12[%swap3A_329, %swap3A_330] : memref<1024x128xf32, #tpu.memory_space<vmem>>, vector<256x128xf32>
      tpu.vector_store %arg12[%swap3A_329, %swap3A_330], %add3A_328 {strides = array<i32>} : memref<1024x128xf32, #tpu.memory_space<vmem>>, vector<256x128xf32>,
      %tanh3A_332 = math.tanh %add3A_328 : vector<256x128xf32>
      %mul3A_333 = arith.mulf %add3A_322, %tanh3A_332 : vector<256x128xf32>
      %convert_element_type3A_334 = arith.truncf %mul3A_333 : vector<256x128xf32> to vector<256x128xbf16>
      %swap3A_335 = arith.constant 0 : index
      %swap3A_336 = arith.constant 0 : index
      %swap3A_337 = vector.load %arg11[%swap3A_335, %swap3A_336] : memref<1024x128xbf16, #tpu.memory_space<vmem>>, vector<256x128xbf16>
      tpu.vector_store %arg11[%swap3A_335, %swap3A_336], %convert_element_type3A_334 {strides = array<i32>} : memref<1024x128xbf16, #tpu.memory_space<vmem>>, vector<256x128xbf16>,
      %slice3A_338 = vector.extract_strided_slice %concatenate3A_281 {offsets = [256, 0], sizes = [256, 256], strides = [1, 1]} : vector<1024x256xbf16> to vector<256x256xbf16>
      %get3A_339 = arith.constant 0 : index
      %get3A_340 = arith.constant 0 : index
      %get3A_341 = vector.load %arg4[%get3A_339, %get3A_340] : memref<256x512xbf16, #tpu.memory_space<vmem>>, vector<256x512xbf16>
      %dot_general3A_342 = arith.constant dense<0.000000e+00> : vector<256x512xf32>
      %dot_general3A_343 = tpu.matmul %slice3A_338, %get3A_341, %dot_general3A_342 {dimension_numbers = #tpu.dot_dimension_numbers<[1], [0], [0], [1], [0, 0, 1, 1], [], []>, transpose_lhs_hint = false} : vector<256x256xbf16>, vector<256x512xbf16>, vector<256x512xf32> -> vector<256x512xf32>
      %slice3A_344 = vector.extract_strided_slice %dot_general3A_343 {offsets = [0, 0], sizes = [256, 128], strides = [1, 1]} : vector<256x512xf32> to vector<256x128xf32>
      %mul3A_345 = arith.constant 5.000000e-01 : f32
      %mul3A_346 = vector.broadcast %mul3A_345 : f32 to vector<256x128xf32>
      %mul3A_347 = arith.mulf %mul3A_346, %slice3A_344 : vector<256x128xf32>
      %tanh3A_348 = math.tanh %mul3A_347 : vector<256x128xf32>
      %mul3A_349 = arith.constant 5.000000e-01 : f32
      %mul3A_350 = vector.broadcast %mul3A_349 : f32 to vector<256x128xf32>
      %mul3A_351 = arith.mulf %mul3A_350, %tanh3A_348 : vector<256x128xf32>
      %add3A_352 = arith.constant 5.000000e-01 : f32
      %add3A_353 = vector.broadcast %add3A_352 : f32 to vector<256x128xf32>
      %add3A_354 = arith.addf %mul3A_351, %add3A_353 : vector<256x128xf32>
      %slice3A_355 = vector.extract_strided_slice %dot_general3A_343 {offsets = [0, 128], sizes = [256, 128], strides = [1, 1]} : vector<256x512xf32> to vector<256x128xf32>
      %mul3A_356 = arith.constant 5.000000e-01 : f32
      %mul3A_357 = vector.broadcast %mul3A_356 : f32 to vector<256x128xf32>
      %mul3A_358 = arith.mulf %mul3A_357, %slice3A_355 : vector<256x128xf32>
      %tanh3A_359 = math.tanh %mul3A_358 : vector<256x128xf32>
      %mul3A_360 = arith.constant 5.000000e-01 : f32
      %mul3A_361 = vector.broadcast %mul3A_360 : f32 to vector<256x128xf32>
      %mul3A_362 = arith.mulf %mul3A_361, %tanh3A_359 : vector<256x128xf32>
      %add3A_363 = arith.constant 5.000000e-01 : f32
      %add3A_364 = vector.broadcast %add3A_363 : f32 to vector<256x128xf32>
      %add3A_365 = arith.addf %mul3A_362, %add3A_364 : vector<256x128xf32>
      %slice3A_366 = vector.extract_strided_slice %dot_general3A_343 {offsets = [0, 256], sizes = [256, 128], strides = [1, 1]} : vector<256x512xf32> to vector<256x128xf32>
      %tanh3A_367 = math.tanh %slice3A_366 : vector<256x128xf32>
      %slice3A_368 = vector.extract_strided_slice %dot_general3A_343 {offsets = [0, 384], sizes = [256, 128], strides = [1, 1]} : vector<256x512xf32> to vector<256x128xf32>
      %mul3A_369 = arith.constant 5.000000e-01 : f32
      %mul3A_370 = vector.broadcast %mul3A_369 : f32 to vector<256x128xf32>
      %mul3A_371 = arith.mulf %mul3A_370, %slice3A_368 : vector<256x128xf32>
      %tanh3A_372 = math.tanh %mul3A_371 : vector<256x128xf32>
      %mul3A_373 = arith.constant 5.000000e-01 : f32
      %mul3A_374 = vector.broadcast %mul3A_373 : f32 to vector<256x128xf32>
      %mul3A_375 = arith.mulf %mul3A_374, %tanh3A_372 : vector<256x128xf32>
      %add3A_376 = arith.constant 5.000000e-01 : f32
      %add3A_377 = vector.broadcast %add3A_376 : f32 to vector<256x128xf32>
      %add3A_378 = arith.addf %mul3A_375, %add3A_377 : vector<256x128xf32>
      %get3A_379 = arith.constant 256 : index
      %get3A_380 = arith.constant 0 : index
      %get3A_381 = vector.load %arg12[%get3A_379, %get3A_380] : memref<1024x128xf32, #tpu.memory_space<vmem>>, vector<256x128xf32>
      %mul3A_382 = arith.mulf %add3A_365, %get3A_381 : vector<256x128xf32>
      %mul3A_383 = arith.mulf %add3A_354, %tanh3A_367 : vector<256x128xf32>
      %add3A_384 = arith.addf %mul3A_382, %mul3A_383 : vector<256x128xf32>
      %swap3A_385 = arith.constant 256 : index
      %swap3A_386 = arith.constant 0 : index
      %swap3A_387 = vector.load %arg12[%swap3A_385, %swap3A_386] : memref<1024x128xf32, #tpu.memory_space<vmem>>, vector<256x128xf32>
      tpu.vector_store %arg12[%swap3A_385, %swap3A_386], %add3A_384 {strides = array<i32>} : memref<1024x128xf32, #tpu.memory_space<vmem>>, vector<256x128xf32>,
      %tanh3A_388 = math.tanh %add3A_384 : vector<256x128xf32>
      %mul3A_389 = arith.mulf %add3A_378, %tanh3A_388 : vector<256x128xf32>
      %convert_element_type3A_390 = arith.truncf %mul3A_389 : vector<256x128xf32> to vector<256x128xbf16>
      %swap3A_391 = arith.constant 256 : index
      %swap3A_392 = arith.constant 0 : index
      %swap3A_393 = vector.load %arg11[%swap3A_391, %swap3A_392] : memref<1024x128xbf16, #tpu.memory_space<vmem>>, vector<256x128xbf16>
      tpu.vector_store %arg11[%swap3A_391, %swap3A_392], %convert_element_type3A_390 {strides = array<i32>} : memref<1024x128xbf16, #tpu.memory_space<vmem>>, vector<256x128xbf16>,
      %slice3A_394 = vector.extract_strided_slice %concatenate3A_281 {offsets = [512, 0], sizes = [256, 256], strides = [1, 1]} : vector<1024x256xbf16> to vector<256x256xbf16>
      %get3A_395 = arith.constant 0 : index
      %get3A_396 = arith.constant 0 : index
      %get3A_397 = vector.load %arg4[%get3A_395, %get3A_396] : memref<256x512xbf16, #tpu.memory_space<vmem>>, vector<256x512xbf16>
      %dot_general3A_398 = arith.constant dense<0.000000e+00> : vector<256x512xf32>
      %dot_general3A_399 = tpu.matmul %slice3A_394, %get3A_397, %dot_general3A_398 {dimension_numbers = #tpu.dot_dimension_numbers<[1], [0], [0], [1], [0, 0, 1, 1], [], []>, transpose_lhs_hint = false} : vector<256x256xbf16>, vector<256x512xbf16>, vector<256x512xf32> -> vector<256x512xf32>
      %slice3A_400 = vector.extract_strided_slice %dot_general3A_399 {offsets = [0, 0], sizes = [256, 128], strides = [1, 1]} : vector<256x512xf32> to vector<256x128xf32>
      %mul3A_401 = arith.constant 5.000000e-01 : f32
      %mul3A_402 = vector.broadcast %mul3A_401 : f32 to vector<256x128xf32>
      %mul3A_403 = arith.mulf %mul3A_402, %slice3A_400 : vector<256x128xf32>
      %tanh3A_404 = math.tanh %mul3A_403 : vector<256x128xf32>
      %mul3A_405 = arith.constant 5.000000e-01 : f32
      %mul3A_406 = vector.broadcast %mul3A_405 : f32 to vector<256x128xf32>
      %mul3A_407 = arith.mulf %mul3A_406, %tanh3A_404 : vector<256x128xf32>
      %add3A_408 = arith.constant 5.000000e-01 : f32
      %add3A_409 = vector.broadcast %add3A_408 : f32 to vector<256x128xf32>
      %add3A_410 = arith.addf %mul3A_407, %add3A_409 : vector<256x128xf32>
      %slice3A_411 = vector.extract_strided_slice %dot_general3A_399 {offsets = [0, 128], sizes = [256, 128], strides = [1, 1]} : vector<256x512xf32> to vector<256x128xf32>
      %mul3A_412 = arith.constant 5.000000e-01 : f32
      %mul3A_413 = vector.broadcast %mul3A_412 : f32 to vector<256x128xf32>
      %mul3A_414 = arith.mulf %mul3A_413, %slice3A_411 : vector<256x128xf32>
      %tanh3A_415 = math.tanh %mul3A_414 : vector<256x128xf32>
      %mul3A_416 = arith.constant 5.000000e-01 : f32
      %mul3A_417 = vector.broadcast %mul3A_416 : f32 to vector<256x128xf32>
      %mul3A_418 = arith.mulf %mul3A_417, %tanh3A_415 : vector<256x128xf32>
      %add3A_419 = arith.constant 5.000000e-01 : f32
      %add3A_420 = vector.broadcast %add3A_419 : f32 to vector<256x128xf32>
      %add3A_421 = arith.addf %mul3A_418, %add3A_420 : vector<256x128xf32>
      %slice3A_422 = vector.extract_strided_slice %dot_general3A_399 {offsets = [0, 256], sizes = [256, 128], strides = [1, 1]} : vector<256x512xf32> to vector<256x128xf32>
      %tanh3A_423 = math.tanh %slice3A_422 : vector<256x128xf32>
      %slice3A_424 = vector.extract_strided_slice %dot_general3A_399 {offsets = [0, 384], sizes = [256, 128], strides = [1, 1]} : vector<256x512xf32> to vector<256x128xf32>
      %mul3A_425 = arith.constant 5.000000e-01 : f32
      %mul3A_426 = vector.broadcast %mul3A_425 : f32 to vector<256x128xf32>
      %mul3A_427 = arith.mulf %mul3A_426, %slice3A_424 : vector<256x128xf32>
      %tanh3A_428 = math.tanh %mul3A_427 : vector<256x128xf32>
      %mul3A_429 = arith.constant 5.000000e-01 : f32
      %mul3A_430 = vector.broadcast %mul3A_429 : f32 to vector<256x128xf32>
      %mul3A_431 = arith.mulf %mul3A_430, %tanh3A_428 : vector<256x128xf32>
      %add3A_432 = arith.constant 5.000000e-01 : f32
      %add3A_433 = vector.broadcast %add3A_432 : f32 to vector<256x128xf32>
      %add3A_434 = arith.addf %mul3A_431, %add3A_433 : vector<256x128xf32>
      %get3A_435 = arith.constant 512 : index
      %get3A_436 = arith.constant 0 : index
      %get3A_437 = vector.load %arg12[%get3A_435, %get3A_436] : memref<1024x128xf32, #tpu.memory_space<vmem>>, vector<256x128xf32>
      %mul3A_438 = arith.mulf %add3A_421, %get3A_437 : vector<256x128xf32>
      %mul3A_439 = arith.mulf %add3A_410, %tanh3A_423 : vector<256x128xf32>
      %add3A_440 = arith.addf %mul3A_438, %mul3A_439 : vector<256x128xf32>
      %swap3A_441 = arith.constant 512 : index
      %swap3A_442 = arith.constant 0 : index
      %swap3A_443 = vector.load %arg12[%swap3A_441, %swap3A_442] : memref<1024x128xf32, #tpu.memory_space<vmem>>, vector<256x128xf32>
      tpu.vector_store %arg12[%swap3A_441, %swap3A_442], %add3A_440 {strides = array<i32>} : memref<1024x128xf32, #tpu.memory_space<vmem>>, vector<256x128xf32>,
      %tanh3A_444 = math.tanh %add3A_440 : vector<256x128xf32>
      %mul3A_445 = arith.mulf %add3A_434, %tanh3A_444 : vector<256x128xf32>
      %convert_element_type3A_446 = arith.truncf %mul3A_445 : vector<256x128xf32> to vector<256x128xbf16>
      %swap3A_447 = arith.constant 512 : index
      %swap3A_448 = arith.constant 0 : index
      %swap3A_449 = vector.load %arg11[%swap3A_447, %swap3A_448] : memref<1024x128xbf16, #tpu.memory_space<vmem>>, vector<256x128xbf16>
      tpu.vector_store %arg11[%swap3A_447, %swap3A_448], %convert_element_type3A_446 {strides = array<i32>} : memref<1024x128xbf16, #tpu.memory_space<vmem>>, vector<256x128xbf16>,
      %slice3A_450 = vector.extract_strided_slice %concatenate3A_281 {offsets = [768, 0], sizes = [256, 256], strides = [1, 1]} : vector<1024x256xbf16> to vector<256x256xbf16>
      %get3A_451 = arith.constant 0 : index
      %get3A_452 = arith.constant 0 : index
      %get3A_453 = vector.load %arg4[%get3A_451, %get3A_452] : memref<256x512xbf16, #tpu.memory_space<vmem>>, vector<256x512xbf16>
      %dot_general3A_454 = arith.constant dense<0.000000e+00> : vector<256x512xf32>
      %dot_general3A_455 = tpu.matmul %slice3A_450, %get3A_453, %dot_general3A_454 {dimension_numbers = #tpu.dot_dimension_numbers<[1], [0], [0], [1], [0, 0, 1, 1], [], []>, transpose_lhs_hint = false} : vector<256x256xbf16>, vector<256x512xbf16>, vector<256x512xf32> -> vector<256x512xf32>
      %slice3A_456 = vector.extract_strided_slice %dot_general3A_455 {offsets = [0, 0], sizes = [256, 128], strides = [1, 1]} : vector<256x512xf32> to vector<256x128xf32>
      %mul3A_457 = arith.constant 5.000000e-01 : f32
      %mul3A_458 = vector.broadcast %mul3A_457 : f32 to vector<256x128xf32>
      %mul3A_459 = arith.mulf %mul3A_458, %slice3A_456 : vector<256x128xf32>
      %tanh3A_460 = math.tanh %mul3A_459 : vector<256x128xf32>
      %mul3A_461 = arith.constant 5.000000e-01 : f32
      %mul3A_462 = vector.broadcast %mul3A_461 : f32 to vector<256x128xf32>
      %mul3A_463 = arith.mulf %mul3A_462, %tanh3A_460 : vector<256x128xf32>
      %add3A_464 = arith.constant 5.000000e-01 : f32
      %add3A_465 = vector.broadcast %add3A_464 : f32 to vector<256x128xf32>
      %add3A_466 = arith.addf %mul3A_463, %add3A_465 : vector<256x128xf32>
      %slice3A_467 = vector.extract_strided_slice %dot_general3A_455 {offsets = [0, 128], sizes = [256, 128], strides = [1, 1]} : vector<256x512xf32> to vector<256x128xf32>
      %mul3A_468 = arith.constant 5.000000e-01 : f32
      %mul3A_469 = vector.broadcast %mul3A_468 : f32 to vector<256x128xf32>
      %mul3A_470 = arith.mulf %mul3A_469, %slice3A_467 : vector<256x128xf32>
      %tanh3A_471 = math.tanh %mul3A_470 : vector<256x128xf32>
      %mul3A_472 = arith.constant 5.000000e-01 : f32
      %mul3A_473 = vector.broadcast %mul3A_472 : f32 to vector<256x128xf32>
      %mul3A_474 = arith.mulf %mul3A_473, %tanh3A_471 : vector<256x128xf32>
      %add3A_475 = arith.constant 5.000000e-01 : f32
      %add3A_476 = vector.broadcast %add3A_475 : f32 to vector<256x128xf32>
      %add3A_477 = arith.addf %mul3A_474, %add3A_476 : vector<256x128xf32>
      %slice3A_478 = vector.extract_strided_slice %dot_general3A_455 {offsets = [0, 256], sizes = [256, 128], strides = [1, 1]} : vector<256x512xf32> to vector<256x128xf32>
      %tanh3A_479 = math.tanh %slice3A_478 : vector<256x128xf32>
      %slice3A_480 = vector.extract_strided_slice %dot_general3A_455 {offsets = [0, 384], sizes = [256, 128], strides = [1, 1]} : vector<256x512xf32> to vector<256x128xf32>
      %mul3A_481 = arith.constant 5.000000e-01 : f32
      %mul3A_482 = vector.broadcast %mul3A_481 : f32 to vector<256x128xf32>
      %mul3A_483 = arith.mulf %mul3A_482, %slice3A_480 : vector<256x128xf32>
      %tanh3A_484 = math.tanh %mul3A_483 : vector<256x128xf32>
      %mul3A_485 = arith.constant 5.000000e-01 : f32
      %mul3A_486 = vector.broadcast %mul3A_485 : f32 to vector<256x128xf32>
      %mul3A_487 = arith.mulf %mul3A_486, %tanh3A_484 : vector<256x128xf32>
      %add3A_488 = arith.constant 5.000000e-01 : f32
      %add3A_489 = vector.broadcast %add3A_488 : f32 to vector<256x128xf32>
      %add3A_490 = arith.addf %mul3A_487, %add3A_489 : vector<256x128xf32>
      %get3A_491 = arith.constant 768 : index
      %get3A_492 = arith.constant 0 : index
      %get3A_493 = vector.load %arg12[%get3A_491, %get3A_492] : memref<1024x128xf32, #tpu.memory_space<vmem>>, vector<256x128xf32>
      %mul3A_494 = arith.mulf %add3A_477, %get3A_493 : vector<256x128xf32>
      %mul3A_495 = arith.mulf %add3A_466, %tanh3A_479 : vector<256x128xf32>
      %add3A_496 = arith.addf %mul3A_494, %mul3A_495 : vector<256x128xf32>
      %swap3A_497 = arith.constant 768 : index
      %swap3A_498 = arith.constant 0 : index
      %swap3A_499 = vector.load %arg12[%swap3A_497, %swap3A_498] : memref<1024x128xf32, #tpu.memory_space<vmem>>, vector<256x128xf32>
      tpu.vector_store %arg12[%swap3A_497, %swap3A_498], %add3A_496 {strides = array<i32>} : memref<1024x128xf32, #tpu.memory_space<vmem>>, vector<256x128xf32>,
      %tanh3A_500 = math.tanh %add3A_496 : vector<256x128xf32>
      %mul3A_501 = arith.mulf %add3A_490, %tanh3A_500 : vector<256x128xf32>
      %convert_element_type3A_502 = arith.truncf %mul3A_501 : vector<256x128xf32> to vector<256x128xbf16>
      %swap3A_503 = arith.constant 768 : index
      %swap3A_504 = arith.constant 0 : index
      %swap3A_505 = vector.load %arg11[%swap3A_503, %swap3A_504] : memref<1024x128xbf16, #tpu.memory_space<vmem>>, vector<256x128xbf16>
      tpu.vector_store %arg11[%swap3A_503, %swap3A_504], %convert_element_type3A_502 {strides = array<i32>} : memref<1024x128xbf16, #tpu.memory_space<vmem>>, vector<256x128xbf16>,
    }
    %scan3A_21 = arith.constant 50 : i32
    %get3A = arith.constant 0 : index
    %get3A_22 = arith.constant 0 : index
    %get3A_23 = vector.load %arg9[%get3A, %get3A_22] : memref<1024x128xbf16, #tpu.memory_space<vmem>>, vector<1024x128xbf16>
    %get3A_24 = arith.constant 0 : index
    %get3A_25 = arith.constant 0 : index
    %get3A_26 = vector.load %arg11[%get3A_24, %get3A_25] : memref<1024x128xbf16, #tpu.memory_space<vmem>>, vector<1024x128xbf16>
    %concatenate3A = tpu.concatenate %get3A_23, %get3A_26 in 1 : vector<1024x128xbf16>, vector<1024x128xbf16> -> vector<1024x256xbf16>
    %get3A_27 = arith.constant 0 : index
    %get3A_28 = arith.constant 0 : index
    %get3A_29 = vector.load %arg6[%get3A_27, %get3A_28] : memref<256x14xbf16, #tpu.memory_space<vmem>>, vector<256x14xbf16>
    %dot_general3A = arith.constant dense<0.000000e+00> : vector<1024x14xf32>
    %dot_general3A_30 = tpu.matmul %concatenate3A, %get3A_29, %dot_general3A {dimension_numbers = #tpu.dot_dimension_numbers<[1], [0], [0], [1], [0, 0, 1, 1], [], []>, transpose_lhs_hint = false} : vector<1024x256xbf16>, vector<256x14xbf16>, vector<1024x14xf32> -> vector<1024x14xf32>
    %reduce_max3A = arith.constant dense<0xFF800000> : vector<1024xf32>
    %reduce_max3A_31 = vector.multi_reduction <maximumf>, %dot_general3A_30, %reduce_max3A [1] : vector<1024x14xf32> to vector<1024xf32>
    %broadcast_in_dim3A_32 = vector.shape_cast %reduce_max3A_31 : vector<1024xf32> to vector<1024x1xf32>
    %sub3A = vector.broadcast %broadcast_in_dim3A_32 : vector<1024x1xf32> to vector<1024x14xf32>
    %sub3A_33 = arith.subf %dot_general3A_30, %sub3A : vector<1024x14xf32>
    %exp3A = math.exp %sub3A_33 : vector<1024x14xf32>
    %reduce_sum3A = arith.constant dense<0.000000e+00> : vector<1024xf32>
    %reduce_sum3A_34 = vector.multi_reduction <add>, %exp3A, %reduce_sum3A [1] : vector<1024x14xf32> to vector<1024xf32>
    %broadcast_in_dim3A_35 = vector.shape_cast %reduce_sum3A_34 : vector<1024xf32> to vector<1024x1xf32>
    %div3A = vector.broadcast %broadcast_in_dim3A_35 : vector<1024x1xf32> to vector<1024x14xf32>
    %div3A_36 = arith.divf %exp3A, %div3A : vector<1024x14xf32>
    %swap3A_37 = arith.constant 0 : index
    %swap3A_38 = arith.constant 0 : index
    %swap3A_39 = vector.load %arg8[%swap3A_37, %swap3A_38] : memref<1024x14xf32, #tpu.memory_space<vmem>>, vector<1024x14xf32>
    tpu.vector_store %arg8[%swap3A_37, %swap3A_38], %div3A_36 {strides = array<i32>} : memref<1024x14xf32, #tpu.memory_space<vmem>>, vector<1024x14xf32>,
    return
  }
  func.func @transform_0(%arg0: i32) -> (i32, i32, i32) {
    %c0_i32 = arith.constant 0 : i32
    %c0_i32_0 = arith.constant 0 : i32
    %c0_i32_1 = arith.constant 0 : i32
    return %c0_i32, %arg0, %c0_i32_0 : i32, i32, i32
  }
  func.func @transform_1(%arg0: i32) -> (i32, i32) {
    %c0_i32 = arith.constant 0 : i32
    %c0_i32_0 = arith.constant 0 : i32
    %c0_i32_1 = arith.constant 0 : i32
    return %c0_i32, %c0_i32_0 : i32, i32
  }
  func.func @transform_2(%arg0: i32) -> (i32, i32) {
    %c0_i32 = arith.constant 0 : i32
    %c0_i32_0 = arith.constant 0 : i32
    %c0_i32_1 = arith.constant 0 : i32
    return %c0_i32, %c0_i32_0 : i32, i32
  }
  func.func @transform_3(%arg0: i32) -> (i32, i32) {
    %c0_i32 = arith.constant 0 : i32
    %c0_i32_0 = arith.constant 0 : i32
    %c0_i32_1 = arith.constant 0 : i32
    return %c0_i32, %c0_i32_0 : i32, i32
  }
  func.func @transform_4(%arg0: i32) -> (i32, i32) {
    %c0_i32 = arith.constant 0 : i32
    %c0_i32_0 = arith.constant 0 : i32
    %c0_i32_1 = arith.constant 0 : i32
    return %c0_i32, %c0_i32_0 : i32, i32
  }
  func.func @transform_5(%arg0: i32) -> (i32, i32) {
    %c0_i32 = arith.constant 0 : i32
    %c0_i32_0 = arith.constant 0 : i32
    %c0_i32_1 = arith.constant 0 : i32
    return %c0_i32, %c0_i32_0 : i32, i32
  }
  func.func @transform_6(%arg0: i32) -> (i32, i32) {
    %c0_i32 = arith.constant 0 : i32
    %c0_i32_0 = arith.constant 0 : i32
    %c0_i32_1 = arith.constant 0 : i32
    return %c0_i32, %c0_i32_0 : i32, i32
  }
  func.func @transform_7(%arg0: i32) -> (i32, i32) {
    %c0_i32 = arith.constant 0 : i32
    %c0_i32_0 = arith.constant 0 : i32
    return %arg0, %c0_i32 : i32, i32
  }
}

</mosaic_0001>

<sc_bundles>
// kernel: kernel.4.cloned.1.call-start
scs
__scs_entry_jumppad:
0x0: {  	(pc) =	sbr.rel $0x88, $3  }
0x1: {  	(tag) =	ssettag $0x0;
	lr =	simm.s32 $0x1  }
0x2: {  	[smem:$0x3F97] =	sst lr;
	_ =	strace $0xD0000000  }
0x3: {  	_ = 	snop  }
0x4: {  	_ = 	snop  }
0x5: {  	_ = 	snop  }
0x6: {  	_ = 	snop  }
0x7: {  	_ = 	snop  }
__scs_overlays_trampoline_lowered:
0x8: {  	[smem:$0x3FA6] =	sst s0  }
0x9: {  	[smem:$0x3FA7] =	sst s1  }
0xa: {  	[smem:$0x3FA8] =	sst s2  }
0xb: {  	[smem:$0x3FA9] =	sst s3  }
0xc: {  	[smem:$0x3FAA] =	sst s4  }
0xd: {  	[smem:$0x3FAB] =	sst s5  }
0xe: {  	[smem:$0x3FAC] =	sst s6  }
0xf: {  	[smem:$0x3FAD] =	sst s7  }
0x10: {  	[smem:$0x3FAE] =	sst s8  }
0x11: {  	[smem:$0x3FAF] =	sst s9;
	s0 =	simm.s32 @!p0 $0x0  }
0x12: {  	s1 =	sld [smem:$0x3F95];
	s0 =	simm.s32 @p0 $0x1  }
0x13: {  	[smem:$0x3FB0] =	sst s0;
	s0 =	simm.s32 @!p1 $0x0  }
0x14: {  	s2 =	sld [smem:$0x3F94];
	s0 =	simm.s32 @p1 $0x1  }
0x15: {  	[smem:$0x3FB1] =	sst s0;
	s0 =	simm.s32 @!p2 $0x0  }
0x16: {  	s3 =	sld [smem:$0x3FDB];
	s0 =	simm.s32 @p2 $0x1  }
0x17: {  	s4 =	simm.s32 $0x1BF5;
	[smem:$0x3FB3] =	sst s0  }
0x18: {  	s0 =	sld [smem:$0x3F96];
	_ =	swait.ge [sflag:s4], $0x0  }
0x19: {  	s7 =	sld [smem:$0x3F97]  }
0x1a: {  	s8 =	sadd.s32 $0xFFFFE003, lr  }
0x1b: {  	s9 =	sadd.s32 $0xFFFFFEF7, lr;
	s5 =	simm.s32 $0xFFFFFFFF;
	p2 =	slt.u32 s8, $0xFFFFF086  }
0x1c: {  	p1 =	slt.u32 s9, $0xF7A;
	s5 =	simm.s32 @!p2 $0x0  }
0x1d: {  	s5 =	simm.s32 @p1 $0x1;
	p0 =	seq.s32 s7, s2  }
0x1e: {  	s7 =	smul.u32 @!p0 $0xF7A, s2;
	p2 =	seq.s32 @!p0 s5, $0x0  }
0x1f: {  	s9 =	smul.u32 $0xF7A, s1;
	s8 =	simm.s32 @!p0 $0x1BF5;
	p2 =	por !p2, p0  }
0x20: {  	[sflag:s8] =	ssyncset.s32 @!p0 $0xFFFFF086;
	s6 =	sadd.s32 @!p0 s3, s7;
	s7 =	simm.s32 @!p0 $0x108  }
0x21: {  	s3 =	sadd.s32 s3, s9;
	s6 =	sadd.s32 @!p0 $0x88, s6;
	s7 =	simm.s32 @p2 $0x1082  }
0x22: {  	[simem:s7], [sflag:s8] =	dma.local @!p0 [hbm:s6], $0xF7A  }
0x23: {  	s9 =	sor.u32 $0xD0000000, s2;
	s6 =	simm.s32 $0x108;
	_ =	swait.ge @!p0 [sflag:s8], $0x0  }
0x24: {  	s3 =	sadd.s32 $0x88, s3;
	s6 =	simm.s32 @!p1 $0x1082;
	[sflag:s4] =	ssyncset.s32 $0xFFFFF086  }
0x25: {  	[simem:s6], [sflag:s4] =	dma.local [hbm:s3], $0xF7A  }
0x26: {  	[smem:$0x3F97] =	sst s1;
	(tag) =	ssettag s2;
	_ =	strace s9  }
0x27: {  	s1 =	sld [smem:$0x3FA7]  }
0x28: {  	s2 =	sld [smem:$0x3FA8]  }
0x29: {  	s4 =	sld [smem:$0x3FAA]  }
0x2a: {  	p0 =	seq.s32 s5, $0x0;
	s5 =	sld [smem:$0x3FAB]  }
0x2b: {  	s6 =	sld [smem:$0x3FAC]  }
0x2c: {  	s7 =	sld [smem:$0x3FAD]  }
0x2d: {  	s3 =	simm.s32 $0x108;
	s8 =	sld [smem:$0x3FAE]  }
0x2e: {  	s3 =	simm.s32 @!p0 $0x1082;
	s9 =	sld [smem:$0x3FAF]  }
0x2f: {  	lr =	sadd.s32 s0, s3;
	s0 =	sld [smem:$0x3FA6]  }
0x30: {  	s3 =	sld [smem:$0x3FA9]  }
0x31: {  	[smem:$0x3FB2] =	sst s10  }
0x32: {  	s10 =	sld [smem:$0x3FB0];
	_ =	sdelay $0x3  }
0x33: {  	p0 =	seq.s32 s10, $0x1;
	s10 =	sld [smem:$0x3FB2];
	_ =	sdelay $0x3  }
0x34: {  	[smem:$0x3FB2] =	sst s10  }
0x35: {  	s10 =	sld [smem:$0x3FB1];
	_ =	sdelay $0x3  }
0x36: {  	p1 =	seq.s32 s10, $0x1;
	s10 =	sld [smem:$0x3FB2];
	_ =	sdelay $0x3  }
0x37: {  	[smem:$0x3FB2] =	sst s10  }
0x38: {  	s10 =	sld [smem:$0x3FB3]  }
0x39: {  	_ = 	snop;
	(pc) =	sbr.ind lr, $3  }
0x3a: {  	_ = 	snop  }
0x3b: {  	_ = 	snop  }
0x3c: {  	p2 =	seq.s32 s10, $0x1;
	s10 =	sld [smem:$0x3FB2]  }
0x3d: {  	_ =	shalt  }
0x3e: {  	_ =	shalt  }
0x3f: {  	_ =	shalt  }
0x40: {  	_ =	shalt  }
0x41: {  	_ =	shalt  }
0x42: {  	_ =	shalt  }
0x43: {  	_ =	shalt  }
0x44: {  	_ =	shalt  }
0x45: {  	_ =	shalt  }
0x46: {  	_ =	shalt  }
0x47: {  	_ =	shalt  }
0x48: {  	_ =	shalt  }
0x49: {  	_ =	shalt  }
0x4a: {  	_ =	shalt  }
0x4b: {  	_ =	shalt  }
0x4c: {  	_ =	shalt  }
0x4d: {  	_ =	shalt  }
0x4e: {  	_ =	shalt  }
0x4f: {  	_ =	shalt  }
0x50: {  	_ =	shalt  }
0x51: {  	_ =	shalt  }
0x52: {  	_ =	shalt  }
0x53: {  	_ =	shalt  }
0x54: {  	_ =	shalt  }
0x55: {  	_ =	shalt  }
0x56: {  	_ =	shalt  }
0x57: {  	_ =	shalt  }
0x58: {  	_ =	shalt  }
0x59: {  	_ =	shalt  }
0x5a: {  	_ =	shalt  }
0x5b: {  	_ =	shalt  }
0x5c: {  	_ =	shalt  }
0x5d: {  	_ =	shalt  }
0x5e: {  	_ =	shalt  }
0x5f: {  	_ =	shalt  }
0x60: {  	_ =	shalt  }
0x61: {  	_ =	shalt  }
0x62: {  	_ =	shalt  }
0x63: {  	_ =	shalt  }
0x64: {  	_ =	shalt  }
0x65: {  	_ =	shalt  }
0x66: {  	_ =	shalt  }
0x67: {  	_ =	shalt  }
0x68: {  	_ =	shalt  }
0x69: {  	_ =	shalt  }
0x6a: {  	_ =	shalt  }
0x6b: {  	_ =	shalt  }
0x6c: {  	_ =	shalt  }
0x6d: {  	_ =	shalt  }
0x6e: {  	_ =	shalt  }
0x6f: {  	_ =	shalt  }
0x70: {  	_ =	shalt  }
0x71: {  	_ =	shalt  }
0x72: {  	_ =	shalt  }
0x73: {  	_ =	shalt  }
0x74: {  	_ =	shalt  }
0x75: {  	_ =	shalt  }
0x76: {  	_ =	shalt  }
0x77: {  	_ =	shalt  }
0x78: {  	_ =	shalt  }
0x79: {  	_ =	shalt  }
0x7a: {  	_ =	shalt  }
0x7b: {  	_ =	shalt  }
0x7c: {  	_ =	shalt  }
0x7d: {  	_ =	shalt  }
0x7e: {  	_ =	shalt  }
0x7f: {  	_ =	shalt  }
0x80: {  	_ =	shalt  }
0x81: {  	_ =	shalt  }
0x82: {  	_ =	shalt  }
0x83: {  	_ =	shalt  }
0x84: {  	_ =	shalt  }
0x85: {  	_ =	shalt  }
0x86: {  	_ =	shalt  }
0x87: {  	_ =	shalt  }
.Lfunc_end0:
.L_simem_size_0:
called_computation_lowered:
.L_overlay_start_0:
0x88: {  	s2 =	sld [smem:$0x3FD9]  }
0x89: {  	s3 =	sld [smem:$0x3FFE];
	_ =	sdelay $0x1  }
0x8a: {  	s1 =	srdreg.scid  }
0x8b: {  	s0 =	sand.u32 $0x1, s1  }
0x8c: {  	s17 =	sshll.u32 s0, $0xA;
	s2 =	sadd.s32 s3, s2  }
0x8d: {  	s2 =	sadd.s32 s2, s17  }
0x8e: {  	[smem:$0x3FBE] =	sst s2  }
0x8f: {  	_ = 	snop  }
0x90: {  	s2 =	sld [smem:$0x3FC8];
	(tm) =	ssettm $0x1  }
0x91: {  	s18 =	sld [smem:$0x3FFB];
	_ =	sdelay $0x3  }
0x92: {  	_ =	strace s18  }
0x93: {  	s3 =	sld [smem:$0x3FFC];
	_ =	sdelay $0x3  }
0x94: {  	_ =	strace s3  }
0x95: {  	s3 =	sld [smem:$0x3FFD];
	_ =	sdelay $0x3  }
0x96: {  	_ =	strace s3  }
0x97: {  	_ =	strace $0x8FFFFFFF  }
0x98: {  	s19 =	sld [smem:$0x3FDB];
	_ =	sdelay $0x1  }
0x99: {  	s4 =	simm.s32 $_scs_section_size  }
0x9a: {  	s5 =	simm.s32 $_size__tile_overlayer_lowered;
	s6 =	simm.s32 $_tile_overlayer_lowered  }
0x9b: {  	s22 =	simm.s32 $0x1BFF;
	s21 =	sshll.u32 s6, $0x1;
	s3 =	sadd.s32 s4, s19  }
0x9c: {  	s7 =	simm.s32 $0x0;
	s20 =	sshll.u32 s5, $0x1;
	s5 =	sadd.s32 s21, s3  }
0x9d: {  	[timem:s7], [sflag:s22] =	dma.local [hbm:s5], s20  }
0x9e: {  	_ =	swait.ge [sflag:s22], s20  }
0x9f: {  	s4 =	ssub.s32 $0x0, s20;
	[sflag:s22] =	ssyncset.done $0x0  }
0xa0: {  	[sflag:s22] =	ssyncadd.s32 s4;
	_ =	sdelay $0x1  }
0xa1: {  	s23 =	simm.s32 $0x1B8B  }
0xa2: {  	_ =	swait.ge [sflag:s23], $0x1  }
0xa3: {  	[sflag:s23] =	ssyncset.done $0x0  }
0xa4: {  	s25 =	simm.s32 $0x1B8E;
	s24 =	sld [smem:$0x3FFE];
	[sflag:s23] =	ssyncadd.s32 $0xFFFFFFFF  }
0xa5: {  	s26 =	simm.s32 $execute0_lowered;
	[smem:$0x3FD2] =	sst s25  }
0xa6: {  	s5 =	sshll.u32 s26, $0x1;
	_ =	strace $0x80000046;
	[dreg:$0x1] =	wrdreg $0xFFFFFFFF  }
0xa7: {  	s28 =	simm.s32 $_size_execute0_lowered;
	s3 =	sadd.s32 s3, s5;
	[dreg:$0x0] =	wrdreg $0x0  }
0xa8: {  	s5 =	sshll.u32 s28, $0x1;
	[dreg:$0x2] =	wrdreg s3  }
0xa9: {  	[dreg:$0x3] =	wrdreg s5  }
0xaa: {  	[dreg:$0x4] =	wrdreg $0xC0  }
0xab: {  	_ =	task [dreg:s7], $0x5FFFF  }
0xac: {  	[dreg:$0x1] =	wrdreg $0xFFFFFFFF  }
0xad: {  	[dreg:$0x0] =	wrdreg $0x60  }
0xae: {  	[dreg:$0x2] =	wrdreg s2  }
0xaf: {  	[dreg:$0x3] =	wrdreg s24  }
0xb0: {  	[dreg:$0x4] =	wrdreg $0x9  }
0xb1: {  	_ =	task.clear_ibuf [dreg:s7], $0x5FFFF;
	_ =	strace $0x90000046  }
0xb2: {  	s29 =	simm.s32 $0x9;
	_ =	strace $0x80000048  }
0xb3: {  	_ =	swait.ge [sflag:s29], $0x1  }
0xb4: {  	[sflag:s29] =	ssyncadd.s32 $0xFFFFFFFF  }
0xb5: {  	_ =	strace $0x90000048  }
0xb6: {  	_ =	sfence  }
0xb7: {  	s30 =	sld [smem:$0x0];
	_ =	sdelay $0x2  }
0xb8: {  	s31 =	sshll.u32 s1, $0xD;
	s1 =	sshrl.u32 s1, $0x2  }
0xb9: {  	s3 =	sand.u32 $0x4000, s31;
	s1 =	sadd.s32 s1, s30  }
0xba: {  	s0 =	sor.u32 s3, s0;
	s1 =	sshll.u32 s1, $0x11  }
0xbb: {  	s0 =	sor.u32 s1, s0  }
0xbc: {  	s0 =	sadd.s32 $0x8F2B, s0  }
0xbd: {  	[sflag:s0] =	ssyncadd.remote.s32 $0x1  }
0xbe: {  	_ =	sfence.sel $0xFFFF  }
0xbf: {  	[dreg:$0x0] =	wrdreg $0xFFFFFFFF;
	(pc) =	sbr.abs _section_cstart, $3  }
0xc0: {  	[dreg:$0x1] =	wrdreg $0xFFFFFFFF  }
0xc1: {  	_ =	task.clear_ibuf [dreg:s7], $0x2FFFF;
	_ =	strace $0x9FFFFFFF  }
0xc2: {  	(tm) =	ssettm $0x7FFFFFFF  }
0xc3: {  	_ =	shalt  }
tec
execute0_lowered:
.L_overlay_start_1:
0x0: {  	(tag) =	ssettag $0x1  }
0x1: {  	s1 =	rddreg [dreg:$0x0]  }
0x2: {  	s5 =	rddreg [dreg:$0x1]  }
0x3: {  	s0 =	rddreg [dreg:$0x2]  }
0x4: {  	s3 =	simm.s32 $0x0;
	s4 =	srdreg.scid;
	s2 =	stileid.u32  }
0x5: {  	s11 =	simm.s32 $0x1;
	s12 =	simm.s32 $0x0;
	[smem:$0x7FF] =	sst s3  }
0x6: {  	s7 =	sand.u32 $0x1, s4;
	s4 =	sadd.s32 $0x1600, s5;
	s8 =	sshll.u32 s2, $0x1  }
0x7: {  	s9 =	sshll.u32 s2, $0xC;
	s30 =	sshll.u32 s2, $0x8;
	_ =	strace $0x80000047  }
0x8: {  	s6 =	ssub.s32 $0x2, s7;
	s8 =	sor.u32 s8, s7;
	s9 =	sadd.s32 s9, s5  }
0x9: {  	s29 =	sshll.u32 s7, $0xB;
	s31 =	sshll.u32 s7, $0x7;
	s10 =	sshrl.u32 s6, $0x1  }
0xa: {  	s28 =	ssub.s32 $0x1AF, s8;
	s8 =	sadd.s32 s29, s9;
	s9 =	simm.s32 $0x2  }
0xb: {  	s26 =	ssub.s32 s6, s10;
	s6 =	sshrl.u32 s28, $0x5;
	s7 =	sadd.s32 $0x3000, s8  }
0xc: {  	s8 =	sor.u32 s31, s30;
	s10 =	simm.s32 $0x80;
	s5 =	smax.u32 s26, $0x1  }
.LBB2_1:
0xd: {  	p1 =	sne.s32 s6, $0x1  }
.Ltmp0:
0xe: {  	_ = 	snop;
	(pc) =	sbr.rel @!p1 .LBB2_2-.Ltmp0, $2  }
0xf: {  	_ =	sdelay $0x2  }
0x10: {  	s13 =	sadd.s32 $0xFFFFFFFF, s6;
	s16 =	sshrl.u32 s8, $0x3;
	p0 =	por $0x0, $0x0  }
0x11: {  	s14 =	sadd.s32 s4, s16  }
0x12: {  	[tilespmem:s3], [sflag:$0x2] =	stream.linear.gather [hbm4b:s14+s3], $0x80, $0x38;
	[tilespmem:$0x4080] =	vst v63  }
0x13: {  	_ =	swait.ge [sflag:s9], $0x80  }
0x14: {  	[sflag:s9] =	ssyncset.done $0x0  }
0x15: {  	[sflag:s9] =	ssyncadd.s32 $0xFFFFFF80  }
0x16: {  	[tilespmem:s10], [sflag:$0x1] =	stream.indirect.gather [hbm4b:s1+s10], $0x80, s3, s10, $0xb8;
	[tilespmem:$0x4080] =	vst v63  }
0x17: {  	p1 =	sne.s32 s13, $0x1;
	_ =	swait.ge [sflag:s11], $0x4000  }
.Ltmp1:
0x18: {  	[sflag:s11] =	ssyncset.done $0x0;
	(pc) =	sbr.rel @!p1 .LBB2_4-.Ltmp1, $4  }
0x19: {  	s15 =	sadd.s32 $0x1000, s8;
	[sflag:s11] =	ssyncadd.s32 $0xFFFFC000  }
0x1a: {  	[hbm4b:s7+s3] =	stream.linear.scatter [tilespmem:s10], [sflag:$0x2], $0x4000, $0x38;
	[tilespmem:$0x4080] =	vst v63  }
0x1b: {  	p0 =	por $0x1, $0x1;
	s14 =	sadd.s32 $0xFFFFFFFF, s13;
	_ =	swait.ge [sflag:s9], $0x4000  }
0x1c: {  	s16 =	sshrl.u32 s15, $0x3;
	s13 =	smov.u32 s7;
	[sflag:s9] =	ssyncset.done $0x0  }
.LBB2_5:
0x1d: {  	s16 =	sadd.s32 s4, s16;
	[sflag:s9] =	ssyncadd.s32 $0xFFFFC000;
	s13 =	sadd.s32 $0x10000, s13  }
0x1e: {  	[tilespmem:s3], [sflag:$0x2] =	stream.linear.gather [hbm4b:s16+s3], $0x80, $0x38;
	[tilespmem:$0x4080] =	vst v63  }
0x1f: {  	p1 =	sne.s32 s14, $0x1;
	s14 =	sadd.s32 $0xFFFFFFFF, s14;
	_ =	swait.ge [sflag:s9], $0x80  }
0x20: {  	[sflag:s9] =	ssyncset.done $0x0  }
0x21: {  	[sflag:s9] =	ssyncadd.s32 $0xFFFFFF80  }
0x22: {  	[tilespmem:s10], [sflag:$0x1] =	stream.indirect.gather [hbm4b:s1+s10], $0x80, s3, s10, $0xb8;
	[tilespmem:$0x4080] =	vst v63  }
0x23: {  	_ =	swait.ge [sflag:s11], $0x4000  }
.Ltmp2:
0x24: {  	[sflag:s11] =	ssyncset.done $0x0;
	(pc) =	sbr.rel @p1 .LBB2_5-.Ltmp2, $4  }
0x25: {  	[sflag:s11] =	ssyncadd.s32 $0xFFFFC000  }
0x26: {  	[hbm4b:s13+s3] =	stream.linear.scatter [tilespmem:s10], [sflag:$0x2], $0x4000, $0x38;
	[tilespmem:$0x4080] =	vst v63  }
0x27: {  	s15 =	sadd.s32 $0x1000, s15;
	_ =	swait.ge [sflag:s9], $0x4000  }
0x28: {  	s16 =	sshrl.u32 s15, $0x3;
	[sflag:s9] =	ssyncset.done $0x0  }
.LBB2_6:
0x29: {  	s14 =	sadd.s32 s4, s16;
	[sflag:s9] =	ssyncadd.s32 @p0 $0xFFFFC000  }
0x2a: {  	[tilespmem:s3], [sflag:$0x2] =	stream.linear.gather [hbm4b:s14+s3], $0x80, $0x38;
	[tilespmem:$0x4080] =	vst v63  }
0x2b: {  	_ =	swait.ge [sflag:s9], $0x80  }
0x2c: {  	[sflag:s9] =	ssyncset.done $0x0  }
0x2d: {  	[sflag:s9] =	ssyncadd.s32 $0xFFFFFF80  }
0x2e: {  	[tilespmem:s10], [sflag:$0x1] =	stream.indirect.gather [hbm4b:s1+s10], $0x80, s3, s10, $0xb8;
	[tilespmem:$0x4080] =	vst v63  }
0x2f: {  	s13 =	sadd.s32 @p0 $0x10000, s13;
	_ =	swait.ge [sflag:s11], $0x4000  }
0x30: {  	s12 =	sadd.s32 $0x1, s12;
	s14 =	smov.u32 s7;
	[sflag:s11] =	ssyncset.done $0x0  }
0x31: {  	s14 =	smov.u32 @p0 s13;
	p0 =	sne.s32 s12, s5;
	[sflag:s11] =	ssyncadd.s32 $0xFFFFC000  }
0x32: {  	[hbm4b:s14+s3] =	stream.linear.scatter [tilespmem:s10], [sflag:$0x2], $0x4000, $0x38;
	[tilespmem:$0x4080] =	vst v63  }
.Ltmp3:
0x33: {  	_ = 	snop;
	(pc) =	sbr.rel @p0 .LBB2_1-.Ltmp3, $4  }
.Ltmp4:
0x34: {  	_ = 	snop;
	(pc) =	sbr.rel @!p0 .LBB2_7-.Ltmp4, $4  }
0x35: {  	_ =	swait.ge [sflag:s9], $0x4000  }
0x36: {  	[sflag:s9] =	ssyncset.done $0x0  }
0x37: {  	[sflag:s9] =	ssyncadd.s32 $0xFFFFC000  }
0x38: {  	_ = 	snop  }
.LBB2_2:
.Ltmp5:
0x39: {  	(pc) =	sbr.rel .LBB2_6-.Ltmp5, $2  }
0x3a: {  	_ =	sdelay $0x2  }
0x3b: {  	s13 =	smov.u32 s7  }
.LBB2_4:
.Ltmp6:
0x3c: {  	(pc) =	sbr.rel .LBB2_6-.Ltmp6, $2  }
0x3d: {  	_ =	sdelay $0x2  }
0x3e: {  	s13 =	smov.u32 s7  }
.LBB2_7:
0x3f: {  	_ =	sfence.sel $0x180000  }
0x40: {  	[bflag:$0x0] =	sbarrier.arrive $0xFFFF  }
0x41: {  	p0 =	sne.s32 s2, $0x0;
	_ =	strace $0x90000047  }
0x42: {  	s0 =	sadd.s32 @!p0 $0x100000, s0;
	[bflag:$0x2] =	sbarrier.arrive $0xFFFF  }
0x43: {  	[sflag:s0] =	ssyncadd.tile.s32 @!p0 $0x1;
	_ =	shalt  }
.Lfunc_end2:
_tile_overlayer_lowered:
.L_overlay_start_2:
0x44: {  	(tag) =	ssettag $0x2  }
0x45: {  	s0 =	rddreg [dreg:$0x0];
	s2 =	stileid.u32  }
0x46: {  	s1 =	rddreg [dreg:$0x1];
	p0 =	sne.s32 s2, $0x0  }
0x47: {  	s3 =	rddreg [dreg:$0x2];
	[bflag:$0x3] =	sbarrier.arrive $0xFFFF;
	s2 =	simm.s32 @!p0 $0x1C02  }
0x48: {  	[timem:s3], [sflag:s2] =	dma.local @!p0 [hbm:s0], s1  }
0x49: {  	s0 =	simm.s32 @!p0 $0x2  }
0x4a: {  	_ =	swait.ge @!p0 [sflag:s0], s1  }
0x4b: {  	s1 =	ssub.s32 @!p0 $0x0, s1;
	[sflag:s0] =	ssyncset.done @!p0 $0x0  }
0x4c: {  	[sflag:s0] =	ssyncadd.s32 @!p0 s1  }
0x4d: {  	[bflag:$0x3] =	sbarrier.arrive $0xFFFF  }
0x4e: {  	_ =	shalt  }

</sc_bundles>
